<compile_context>
chip_gen: v7x
topology: tpu7x:2x2x1
jax: 0.10.2.dev20260603
libtpu: 0.0.44.dev20260713+nightly
codegen_flags: <defaults>
</compile_context>

<pallas_src>
import functools

import jax
import jax.numpy as jnp
from jax import lax
from jax.experimental import pallas as pl
from jax.experimental.pallas import tpu as pltpu
from jax.experimental.pallas import tpu_sc as plsc

N_TOK = 8192
N_ST = 18
N_TILE = 16
TOK_PER_TILE = N_TOK // N_TILE
VREGS = TOK_PER_TILE // 16

_PI = 3.14159265358979323846
_F32 = jnp.float32


def _prep_body(p8_ref, feat_ref):
    p = p8_ref[...]
    x0, y0, x1, y1 = p[0], p[1], p[2], p[3]
    x2, y2, x3, y3 = p[4], p[5], p[6], p[7]
    mx = (x0 + x1 + x2 + x3) * 0.25
    my = (y0 + y1 + y2 + y3) * 0.25
    dx = x0 - x3
    dy = y0 - y3
    a = jnp.arctan2(dy, dx)
    ca = jnp.cos(a)
    sa = jnp.sin(a)
    z = jnp.zeros_like(mx)
    feat_ref[...] = jnp.stack([mx, my, a, ca, sa, z, z, z], axis=0)


def _rsqrt(x):
    i = lax.bitcast_convert_type(x, jnp.int32)
    i = jnp.int32(0x5F3759DF) - lax.shift_right_logical(i, 1)
    y = lax.bitcast_convert_type(i, _F32)
    xh = x * _F32(0.5)
    for _ in range(3):
        y = y * (_F32(1.5) - xh * y * y)
    return y


def _sc_body(p_hbm, feat_hbm, din_hbm, out_hbm,
             p_v, din_v, out_v, cand_v, stage_v, featrow_v, sh_min, sh_feat):
    cid = lax.axis_index("c")
    sid = lax.axis_index("s")

    tok0 = sid * TOK_PER_TILE
    pltpu.sync_copy(p_hbm.at[sid], p_v)
    pltpu.sync_copy(din_hbm, din_v)
    pltpu.sync_copy(feat_hbm.at[pl.ds(tok0, TOK_PER_TILE)],
                    sh_feat.at[pl.ds(tok0, TOK_PER_TILE)])
    plsc.subcore_barrier()

    ii = lax.broadcasted_iota(jnp.int32, (16,), 0)

    def step(i, carry):
        tx, ty, c, s, h = carry
        drow = din_v[i]
        x = drow[0]
        y = drow[1]
        hc = _F32(0.5) * drow[2]
        hs = _F32(0.5) * drow[3]
        lc = _F32(4.8) * hc
        ls = _F32(4.8) * hs
        wc = _F32(2.0) * hc
        ws = _F32(2.0) * hs
        gxs = (x + lc - ws, x + lc + ws, x - lc + ws, x - lc - ws)
        gys = (y + ls + wc, y + ls - wc, y - ls - wc, y - ls + wc)
        gpx = []
        gpy = []
        for k in range(4):
            ux = gxs[k] - tx
            uy = gys[k] - ty
            gpx.append(jnp.full((16,), c * ux + s * uy, _F32))
            gpy.append(jnp.full((16,), c * uy - s * ux, _F32))

        def vbody(v, bc):
            bd, bi = bc
            base = v * 16
            dist = jnp.zeros((16,), _F32)
            for k in range(4):
                px = p_v[2 * k, pl.ds(base, 16)]
                py = p_v[2 * k + 1, pl.ds(base, 16)]
                dxv = px - gpx[k]
                dyv = py - gpy[k]
                d2 = jnp.maximum(dxv * dxv + dyv * dyv, _F32(1e-12))
                dist = dist + d2 * _rsqrt(d2)
            iv = jnp.full((16,), base, jnp.int32) + ii
            m = dist < bd
            bd = jnp.where(m, dist, bd)
            bi = jnp.where(m, iv, bi)
            return bd, bi

        bd0 = jnp.full((16,), _F32(3.0e38))
        bi0 = jnp.zeros((16,), jnp.int32)
        bd, bi = lax.fori_loop(0, VREGS, vbody, (bd0, bi0), unroll=4)

        md = jnp.min(bd)
        li = jnp.min(jnp.where(bd == md, bi, jnp.int32(1 << 30)))
        lif = (li + tok0).astype(_F32)

        stage_v[...] = jnp.where(ii == 0, jnp.full((16,), md),
                                 jnp.full((16,), lif))
        pltpu.sync_copy(stage_v, sh_min.at[sid])
        plsc.subcore_barrier()
        pltpu.sync_copy(sh_min, cand_v)
        plsc.subcore_barrier()

        crow = cand_v[0]
        gbd = crow[0]
        gbi = crow[1]
        for t in range(1, N_TILE):
            crow = cand_v[t]
            dtv = crow[0]
            better = dtv < gbd
            gbd = jnp.where(better, dtv, gbd)
            gbi = jnp.where(better, crow[1], gbi)
        gidx = gbi.astype(jnp.int32)

        pltpu.sync_copy(sh_feat.at[gidx], featrow_v)
        fr = featrow_v[...]
        fmx = fr[0]
        fmy = fr[1]
        fa = fr[2]
        fca = fr[3]
        fsa = fr[4]

        tx2 = tx + c * fmx - s * fmy
        ty2 = ty + s * fmx + c * fmy
        c2 = c * fca - s * fsa
        s2 = s * fca + c * fsa
        h2 = h + fa
        h2 = jnp.where(h2 > _F32(_PI), h2 - _F32(2 * _PI), h2)
        h2 = jnp.where(h2 <= -_F32(_PI), h2 + _F32(2 * _PI), h2)

        out_v[i] = jnp.where(
            ii == 0, jnp.full((16,), tx2),
            jnp.where(ii == 1, jnp.full((16,), ty2),
                      jnp.where(ii == 2, jnp.full((16,), h2),
                                jnp.full((16,), gbi))))
        return tx2, ty2, c2, s2, h2

    carry0 = (_F32(0.0), _F32(0.0), _F32(1.0), _F32(0.0), _F32(0.0))
    lax.fori_loop(0, N_ST, step, carry0)

    @pl.when(jnp.logical_and(cid == 0, sid == 0))
    def _():
        pltpu.sync_copy(out_v, out_hbm)


_sc_loop = functools.partial(
    pl.kernel,
    out_type=jax.ShapeDtypeStruct((N_ST, 16), _F32),
    mesh=plsc.VectorSubcoreMesh(core_axis_name="c", subcore_axis_name="s",
                                num_cores=1, num_subcores=N_TILE),
    compiler_params=pltpu.CompilerParams(needs_layout_passes=False),
    scratch_types=[
        pltpu.VMEM((8, TOK_PER_TILE), _F32),
        pltpu.VMEM((N_ST, 16), _F32),
        pltpu.VMEM((N_ST, 16), _F32),
        pltpu.VMEM((N_TILE, 16), _F32),
        pltpu.VMEM((16,), _F32),
        pltpu.VMEM((16,), _F32),
        pltpu.VMEM_SHARED((N_TILE, 16), _F32),
        pltpu.VMEM_SHARED((N_TOK, 16), _F32),
    ],
)(_sc_body)


def kernel(data, token_all_veh):
    data = data.astype(_F32)
    tok = token_all_veh.astype(_F32)

    P = tok[:, -1, :, :]
    p8 = P.reshape(N_TOK, 8).T

    feat8 = pl.pallas_call(
        _prep_body,
        out_shape=jax.ShapeDtypeStruct((8, 64, 128), _F32),
    )(p8.reshape(8, 64, 128))

    feat16 = jnp.concatenate(
        [feat8.reshape(8, N_TOK).T, jnp.zeros((N_TOK, 8), _F32)], axis=1)

    cth = jnp.cos(data[:, 2:3])
    sth = jnp.sin(data[:, 2:3])
    din = jnp.concatenate(
        [data[:, :2], cth, sth, jnp.zeros((N_ST, 12), _F32)], axis=1)

    p_soa = p8.reshape(8, N_TILE, TOK_PER_TILE).transpose(1, 0, 2)
    out = _sc_loop(p_soa, feat16, din)

    gt_idx = out[:, 3].astype(jnp.int32)[None]
    gt_pos = jnp.stack([out[:, 0], out[:, 1]], axis=-1)[None]
    gt_head = out[:, 2][None]
    return (data[:, :2], data[:, -1], gt_idx, gt_pos, gt_head,
            gt_idx, gt_pos, gt_head)

# --- scband reference (transcript-rebuilt; emitter-appended) ---
"""Pipeline reference for scband-token-processor-80144089743455 (READ-ONLY COPY).

The authoritative reference and input builder live on the scoring server;
editing this copy changes nothing except your own understanding.
"""

import jax, jax.numpy as jnp
import numpy as np

N_TOKEN = 8192
N_STEP = 18

def cal_polygon_contour(pos, head, shape_wl):
    x = pos[..., 0]; y = pos[..., 1]
    width = shape_wl[..., 0]; length = shape_wl[..., 1]
    half_cos = 0.5 * jnp.cos(head); half_sin = 0.5 * jnp.sin(head)
    length_cos = length * half_cos; length_sin = length * half_sin
    width_cos = width * half_cos; width_sin = width * half_sin
    lf = jnp.stack([x + length_cos - width_sin, y + length_sin + width_cos], -1)
    rf = jnp.stack([x + length_cos + width_sin, y + length_sin - width_cos], -1)
    rb = jnp.stack([x - length_cos + width_sin, y - length_sin - width_cos], -1)
    lb = jnp.stack([x - length_cos - width_sin, y - length_sin + width_cos], -1)
    return jnp.stack([lf, rf, rb, lb], axis=-2)

def transform_to_global(pos_local, head_local, pos_now, head_now):
    cos = jnp.cos(head_now)[:, None]; sin = jnp.sin(head_now)[:, None]
    xg = pos_local[..., 0] * cos - pos_local[..., 1] * sin + pos_now[:, None, 0]
    yg = pos_local[..., 0] * sin + pos_local[..., 1] * cos + pos_now[:, None, 1]
    head_global = None if head_local is None else head_local + head_now[:, None]
    return jnp.stack([xg, yg], -1), head_global

def setup_inputs(seed: int = 0):
    key = jax.random.key(seed)
    k1, k2 = jax.random.split(key)
    data = jax.random.normal(k1, (N_STEP, 3), dtype=jnp.float32)
    token_all_veh = jax.random.normal(k2, (N_TOKEN, 6, 4, 2), dtype=jnp.float32)
    return {"data": data, "token_all_veh": token_all_veh}

def _match_agent_token(data, token_all_veh):
    agent_shape = jnp.array([[2.0, 4.8]], dtype=jnp.float32)
    token_traj_all = token_all_veh[None]              # [1, n_token, 6, 4, 2]
    token_traj = token_traj_all[:, :, -1, :, :]       # [1, n_token, 4, 2]
    pos = data[None, :, :2]                           # [1, n_step, 2]
    heading = data[None, :, -1]                       # [1, n_step]
    prev_pos = jnp.zeros((1, 2), jnp.float32)
    prev_head = jnp.zeros((1,), jnp.float32)
    gt_idx, gt_pos, gt_head = [], [], []
    for i in range(data.shape[0]):
        gt_contour = cal_polygon_contour(pos[:, i], heading[:, i], agent_shape)[:, None]  # [1,1,4,2]
        flat = token_traj.reshape(token_traj.shape[0], -1, 2)
        token_world = transform_to_global(flat, None, prev_pos, prev_head)[0].reshape(token_traj.shape)
        dist = jnp.linalg.norm(token_world - gt_contour, axis=-1).sum(-1)   # [1, n_token]
        idx = jnp.argmin(dist, axis=-1)                                     # [1]
        contour = token_world[0, idx]                                       # [1,4,2]
        dxy = contour[:, 0] - contour[:, 3]
        prev_head = jnp.arctan2(dxy[:, 1], dxy[:, 0])
        prev_pos = contour.mean(1)
        gt_idx.append(idx); gt_pos.append(prev_pos); gt_head.append(prev_head)
    return jnp.stack(gt_idx, 1), jnp.stack(gt_pos, 1), jnp.stack(gt_head, 1)

def reference(data, token_all_veh):
    gt_idx, gt_pos, gt_heading = _match_agent_token(data, token_all_veh)
    gt_pos_raw = data[:, :2]
    gt_head_raw = data[:, -1]
    # num_k == 1 (eval path): sampled outputs equal gt outputs
    return (gt_pos_raw, gt_head_raw, gt_idx, gt_pos, gt_heading, gt_idx, gt_pos, gt_heading)

if __name__ == "__main__":
    import jax
    _d = setup_inputs()
    print(jax.jit(kernel)(*tuple(_d.values())))

</pallas_src>

<mosaic_0001>
#map = affine_map<(d0, d1) -> (0, 0, 0)>
#map1 = affine_map<(d0, d1) -> (0, 0)>
module attributes {stable_mosaic.version = 14 : i64} {
  func.func @_sc_body(%arg0: i32, %arg1: i32, %arg2: memref<16x8x512xf32, #tpu.memory_space<hbm>>, %arg3: memref<8192x16xf32, #tpu.memory_space<hbm>>, %arg4: memref<18x16xf32, #tpu.memory_space<hbm>>, %arg5: memref<18x16xf32, #tpu.memory_space<hbm>>, %arg6: memref<8x512xf32, #tpu.memory_space<vmem>>, %arg7: memref<18x16xf32, #tpu.memory_space<vmem>>, %arg8: memref<18x16xf32, #tpu.memory_space<vmem>>, %arg9: memref<16x16xf32, #tpu.memory_space<vmem>>, %arg10: memref<16xf32, #tpu.memory_space<vmem>>, %arg11: memref<16xf32, #tpu.memory_space<vmem>>, %arg12: memref<16x16xf32, #tpu.memory_space<vmem_shared>>, %arg13: memref<8192x16xf32, #tpu.memory_space<vmem_shared>>) attributes {dimension_semantics = [#tpu.dimension_semantics<core_parallel>, #tpu.dimension_semantics<subcore_parallel>], iteration_bounds = array<i64: 1, 16>, scalar_prefetch = 0 : i64, scratch_operands = 8 : i64, tpu.core_type = #tpu.core_type<sc_vector_subcore>, window_params = [{transform_indices = #map}, {transform_indices = #map1}, {transform_indices = #map1}, {transform_indices = #map1}]} {
    %mul3A = arith.constant 512 : i32
    %mul3A_0 = arith.muli %arg1, %mul3A : i32
    "tpu.region"() ({
      %run_scoped3A = tpu.sem_alloc : memref<!tpu.dma_semaphore, #tpu.memory_space<semaphore_mem>>
      %dma_start3A = arith.constant 0 : i32
      %dma_start3A_15 = arith.constant 0 : i32
      %dma_start3A_16 = tpu.memref_slice %arg2[%arg1, %dma_start3A, %dma_start3A_15] : memref<16x8x512xf32, #tpu.memory_space<hbm>> -> memref<1x8x512xf32, #tpu.memory_space<hbm>>
      %dma_start3A_17 = tpu.memref_squeeze %dma_start3A_16 : memref<1x8x512xf32, #tpu.memory_space<hbm>> -> memref<8x512xf32, #tpu.memory_space<hbm>>
      %dma_start3A_18 = arith.constant 0 : i32
      %dma_start3A_19 = arith.constant 0 : i32
      %dma_start3A_20 = tpu.memref_slice %arg2[%arg1, %dma_start3A_18, %dma_start3A_19] : memref<16x8x512xf32, #tpu.memory_space<hbm>> -> memref<1x8x512xf32, #tpu.memory_space<hbm>>
      %dma_start3A_21 = tpu.memref_squeeze %dma_start3A_20 : memref<1x8x512xf32, #tpu.memory_space<hbm>> -> memref<8x512xf32, #tpu.memory_space<hbm>>
      tpu.enqueue_dma source(%dma_start3A_21 : memref<8x512xf32, #tpu.memory_space<hbm>>) target(%arg6 : memref<8x512xf32, #tpu.memory_space<vmem>>) target_semaphore(%run_scoped3A : memref<!tpu.dma_semaphore, #tpu.memory_space<semaphore_mem>>)
      %dma_wait3A = arith.constant 0 : i32
      %dma_wait3A_22 = arith.constant 0 : i32
      %dma_wait3A_23 = tpu.memref_slice %arg2[%arg1, %dma_wait3A, %dma_wait3A_22] : memref<16x8x512xf32, #tpu.memory_space<hbm>> -> memref<1x8x512xf32, #tpu.memory_space<hbm>>
      %dma_wait3A_24 = tpu.memref_squeeze %dma_wait3A_23 : memref<1x8x512xf32, #tpu.memory_space<hbm>> -> memref<8x512xf32, #tpu.memory_space<hbm>>
      %dma_wait3A_25 = arith.constant 0 : i32
      %dma_wait3A_26 = arith.constant 0 : i32
      %dma_wait3A_27 = tpu.memref_slice %arg2[%arg1, %dma_wait3A_25, %dma_wait3A_26] : memref<16x8x512xf32, #tpu.memory_space<hbm>> -> memref<1x8x512xf32, #tpu.memory_space<hbm>>
      %dma_wait3A_28 = tpu.memref_squeeze %dma_wait3A_27 : memref<1x8x512xf32, #tpu.memory_space<hbm>> -> memref<8x512xf32, #tpu.memory_space<hbm>>
      tpu.wait_dma2 semaphore(%run_scoped3A : memref<!tpu.dma_semaphore, #tpu.memory_space<semaphore_mem>>) src(%dma_wait3A_28 : memref<8x512xf32, #tpu.memory_space<hbm>>) dst(%arg6 : memref<8x512xf32, #tpu.memory_space<vmem>>)
      tpu.yield
    }) : () -> ()
    "tpu.region"() ({
      %run_scoped3A = tpu.sem_alloc : memref<!tpu.dma_semaphore, #tpu.memory_space<semaphore_mem>>
      tpu.enqueue_dma source(%arg4 : memref<18x16xf32, #tpu.memory_space<hbm>>) target(%arg7 : memref<18x16xf32, #tpu.memory_space<vmem>>) target_semaphore(%run_scoped3A : memref<!tpu.dma_semaphore, #tpu.memory_space<semaphore_mem>>)
      tpu.wait_dma2 semaphore(%run_scoped3A : memref<!tpu.dma_semaphore, #tpu.memory_space<semaphore_mem>>) src(%arg4 : memref<18x16xf32, #tpu.memory_space<hbm>>) dst(%arg7 : memref<18x16xf32, #tpu.memory_space<vmem>>)
      tpu.yield
    }) : () -> ()
    "tpu.region"() ({
      %run_scoped3A = tpu.sem_alloc : memref<!tpu.dma_semaphore, #tpu.memory_space<semaphore_mem>>
      %dma_start3A = arith.constant 0 : i32
      %dma_start3A_15 = tpu.memref_slice %arg13[%mul3A_0, %dma_start3A] : memref<8192x16xf32, #tpu.memory_space<vmem_shared>> -> memref<512x16xf32, #tpu.memory_space<vmem_shared>>
      %dma_start3A_16 = arith.constant 0 : i32
      %dma_start3A_17 = tpu.memref_slice %arg3[%mul3A_0, %dma_start3A_16] : memref<8192x16xf32, #tpu.memory_space<hbm>> -> memref<512x16xf32, #tpu.memory_space<hbm>>
      tpu.enqueue_dma source(%dma_start3A_17 : memref<512x16xf32, #tpu.memory_space<hbm>>) target(%dma_start3A_15 : memref<512x16xf32, #tpu.memory_space<vmem_shared>>) target_semaphore(%run_scoped3A : memref<!tpu.dma_semaphore, #tpu.memory_space<semaphore_mem>>)
      %dma_wait3A = arith.constant 0 : i32
      %dma_wait3A_18 = tpu.memref_slice %arg13[%mul3A_0, %dma_wait3A] : memref<8192x16xf32, #tpu.memory_space<vmem_shared>> -> memref<512x16xf32, #tpu.memory_space<vmem_shared>>
      %dma_wait3A_19 = arith.constant 0 : i32
      %dma_wait3A_20 = tpu.memref_slice %arg3[%mul3A_0, %dma_wait3A_19] : memref<8192x16xf32, #tpu.memory_space<hbm>> -> memref<512x16xf32, #tpu.memory_space<hbm>>
      tpu.wait_dma2 semaphore(%run_scoped3A : memref<!tpu.dma_semaphore, #tpu.memory_space<semaphore_mem>>) src(%dma_wait3A_20 : memref<512x16xf32, #tpu.memory_space<hbm>>) dst(%dma_wait3A_18 : memref<512x16xf32, #tpu.memory_space<vmem_shared>>)
      tpu.yield
    }) : () -> ()
    %barrier3A = arith.constant 0 : index
    tpu.barrier barrier_id(%barrier3A)
    %iota3A = tpu.iota {dimensions = array<i32: 0>} : vector<16xi32>
    %scan3A = arith.constant 0.000000e+00 : f32
    %scan3A_1 = arith.constant 0.000000e+00 : f32
    %scan3A_2 = arith.constant 1.000000e+00 : f32
    %scan3A_3 = arith.constant 0.000000e+00 : f32
    %scan3A_4 = arith.constant 0.000000e+00 : f32
    %scan3A_5 = arith.constant 0 : i32
    %scan3A_6 = arith.constant 18 : i32
    %scan3A_7 = arith.addi %scan3A_5, %scan3A_6 : i32
    %scan3A_8 = arith.constant 1 : i32
    %scan3A_9:5 = scf.for %scan3A_15 = %scan3A_5 to %scan3A_7 step %scan3A_8 iter_args(%scan3A_16 = %scan3A, %scan3A_17 = %scan3A_1, %scan3A_18 = %scan3A_2, %scan3A_19 = %scan3A_3, %scan3A_20 = %scan3A_4) -> (f32, f32, f32, f32, f32)  : i32 {
      %get3A = arith.index_cast %scan3A_15 : i32 to index
      %get3A_21 = arith.constant 0 : index
      %get3A_22 = tpu.vector_load %arg7[%get3A, %get3A_21] {strides = array<i32>} : memref<18x16xf32, #tpu.memory_space<vmem>>, vector<16xf32>,
      %slice3A = vector.extract_strided_slice %get3A_22 {offsets = [0], sizes = [1], strides = [1]} : vector<16xf32> to vector<1xf32>
      %squeeze3A = vector.extract %slice3A[0] : f32 from vector<1xf32>
      %slice3A_23 = vector.extract_strided_slice %get3A_22 {offsets = [1], sizes = [1], strides = [1]} : vector<16xf32> to vector<1xf32>
      %squeeze3A_24 = vector.extract %slice3A_23[0] : f32 from vector<1xf32>
      %slice3A_25 = vector.extract_strided_slice %get3A_22 {offsets = [2], sizes = [1], strides = [1]} : vector<16xf32> to vector<1xf32>
      %squeeze3A_26 = vector.extract %slice3A_25[0] : f32 from vector<1xf32>
      %mul3A_27 = arith.constant 5.000000e-01 : f32
      %mul3A_28 = arith.mulf %mul3A_27, %squeeze3A_26 : f32
      %slice3A_29 = vector.extract_strided_slice %get3A_22 {offsets = [3], sizes = [1], strides = [1]} : vector<16xf32> to vector<1xf32>
      %squeeze3A_30 = vector.extract %slice3A_29[0] : f32 from vector<1xf32>
      %mul3A_31 = arith.constant 5.000000e-01 : f32
      %mul3A_32 = arith.mulf %mul3A_31, %squeeze3A_30 : f32
      %mul3A_33 = arith.constant 4.800000e+00 : f32
      %mul3A_34 = arith.mulf %mul3A_33, %mul3A_28 : f32
      %mul3A_35 = arith.constant 4.800000e+00 : f32
      %mul3A_36 = arith.mulf %mul3A_35, %mul3A_32 : f32
      %mul3A_37 = arith.constant 2.000000e+00 : f32
      %mul3A_38 = arith.mulf %mul3A_37, %mul3A_28 : f32
      %mul3A_39 = arith.constant 2.000000e+00 : f32
      %mul3A_40 = arith.mulf %mul3A_39, %mul3A_32 : f32
      %add3A = arith.addf %squeeze3A, %mul3A_34 : f32
      %sub3A = arith.subf %add3A, %mul3A_40 : f32
      %add3A_41 = arith.addf %squeeze3A, %mul3A_34 : f32
      %add3A_42 = arith.addf %add3A_41, %mul3A_40 : f32
      %sub3A_43 = arith.subf %squeeze3A, %mul3A_34 : f32
      %add3A_44 = arith.addf %sub3A_43, %mul3A_40 : f32
      %sub3A_45 = arith.subf %squeeze3A, %mul3A_34 : f32
      %sub3A_46 = arith.subf %sub3A_45, %mul3A_40 : f32
      %add3A_47 = arith.addf %squeeze3A_24, %mul3A_36 : f32
      %add3A_48 = arith.addf %add3A_47, %mul3A_38 : f32
      %add3A_49 = arith.addf %squeeze3A_24, %mul3A_36 : f32
      %sub3A_50 = arith.subf %add3A_49, %mul3A_38 : f32
      %sub3A_51 = arith.subf %squeeze3A_24, %mul3A_36 : f32
      %sub3A_52 = arith.subf %sub3A_51, %mul3A_38 : f32
      %sub3A_53 = arith.subf %squeeze3A_24, %mul3A_36 : f32
      %add3A_54 = arith.addf %sub3A_53, %mul3A_38 : f32
      %sub3A_55 = arith.subf %sub3A, %scan3A_16 : f32
      %sub3A_56 = arith.subf %add3A_48, %scan3A_17 : f32
      %mul3A_57 = arith.mulf %scan3A_18, %sub3A_55 : f32
      %mul3A_58 = arith.mulf %scan3A_19, %sub3A_56 : f32
      %add3A_59 = arith.addf %mul3A_57, %mul3A_58 : f32
      %broadcast_in_dim3A = vector.broadcast %add3A_59 : f32 to vector<16xf32>
      %mul3A_60 = arith.mulf %scan3A_18, %sub3A_56 : f32
      %mul3A_61 = arith.mulf %scan3A_19, %sub3A_55 : f32
      %sub3A_62 = arith.subf %mul3A_60, %mul3A_61 : f32
      %broadcast_in_dim3A_63 = vector.broadcast %sub3A_62 : f32 to vector<16xf32>
      %sub3A_64 = arith.subf %add3A_42, %scan3A_16 : f32
      %sub3A_65 = arith.subf %sub3A_50, %scan3A_17 : f32
      %mul3A_66 = arith.mulf %scan3A_18, %sub3A_64 : f32
      %mul3A_67 = arith.mulf %scan3A_19, %sub3A_65 : f32
      %add3A_68 = arith.addf %mul3A_66, %mul3A_67 : f32
      %broadcast_in_dim3A_69 = vector.broadcast %add3A_68 : f32 to vector<16xf32>
      %mul3A_70 = arith.mulf %scan3A_18, %sub3A_65 : f32
      %mul3A_71 = arith.mulf %scan3A_19, %sub3A_64 : f32
      %sub3A_72 = arith.subf %mul3A_70, %mul3A_71 : f32
      %broadcast_in_dim3A_73 = vector.broadcast %sub3A_72 : f32 to vector<16xf32>
      %sub3A_74 = arith.subf %add3A_44, %scan3A_16 : f32
      %sub3A_75 = arith.subf %sub3A_52, %scan3A_17 : f32
      %mul3A_76 = arith.mulf %scan3A_18, %sub3A_74 : f32
      %mul3A_77 = arith.mulf %scan3A_19, %sub3A_75 : f32
      %add3A_78 = arith.addf %mul3A_76, %mul3A_77 : f32
      %broadcast_in_dim3A_79 = vector.broadcast %add3A_78 : f32 to vector<16xf32>
      %mul3A_80 = arith.mulf %scan3A_18, %sub3A_75 : f32
      %mul3A_81 = arith.mulf %scan3A_19, %sub3A_74 : f32
      %sub3A_82 = arith.subf %mul3A_80, %mul3A_81 : f32
      %broadcast_in_dim3A_83 = vector.broadcast %sub3A_82 : f32 to vector<16xf32>
      %sub3A_84 = arith.subf %sub3A_46, %scan3A_16 : f32
      %sub3A_85 = arith.subf %add3A_54, %scan3A_17 : f32
      %mul3A_86 = arith.mulf %scan3A_18, %sub3A_84 : f32
      %mul3A_87 = arith.mulf %scan3A_19, %sub3A_85 : f32
      %add3A_88 = arith.addf %mul3A_86, %mul3A_87 : f32
      %broadcast_in_dim3A_89 = vector.broadcast %add3A_88 : f32 to vector<16xf32>
      %mul3A_90 = arith.mulf %scan3A_18, %sub3A_85 : f32
      %mul3A_91 = arith.mulf %scan3A_19, %sub3A_84 : f32
      %sub3A_92 = arith.subf %mul3A_90, %mul3A_91 : f32
      %broadcast_in_dim3A_93 = vector.broadcast %sub3A_92 : f32 to vector<16xf32>
      %broadcast_in_dim3A_94 = arith.constant 3.000000e+38 : f32
      %broadcast_in_dim3A_95 = vector.broadcast %broadcast_in_dim3A_94 : f32 to vector<16xf32>
      %broadcast_in_dim3A_96 = arith.constant 0 : i32
      %broadcast_in_dim3A_97 = vector.broadcast %broadcast_in_dim3A_96 : i32 to vector<16xi32>
      %scan3A_98 = arith.constant 0 : i32
      %scan3A_99 = arith.constant 32 : i32
      %scan3A_100 = arith.addi %scan3A_98, %scan3A_99 : i32
      %scan3A_101 = arith.constant 4 : i32
      %scan3A_102:2 = scf.for %scan3A_357 = %scan3A_98 to %scan3A_100 step %scan3A_101 iter_args(%scan3A_358 = %broadcast_in_dim3A_95, %scan3A_359 = %broadcast_in_dim3A_97) -> (vector<16xf32>, vector<16xi32>)  : i32 {
        %mul3A_360 = arith.constant 16 : i32
        %mul3A_361 = arith.muli %scan3A_357, %mul3A_360 : i32
        %broadcast_in_dim3A_362 = arith.constant 0.000000e+00 : f32
        %broadcast_in_dim3A_363 = vector.broadcast %broadcast_in_dim3A_362 : f32 to vector<16xf32>
        %get3A_364 = arith.constant 0 : i32
        %get3A_365 = arith.index_cast %get3A_364 : i32 to index
        %get3A_366 = arith.index_cast %mul3A_361 : i32 to index
        %get3A_367 = tpu.vector_load %arg6[%get3A_365, %get3A_366] {strides = array<i32>} : memref<8x512xf32, #tpu.memory_space<vmem>>, vector<16xf32>,
        %get3A_368 = arith.constant 1 : i32
        %get3A_369 = arith.index_cast %get3A_368 : i32 to index
        %get3A_370 = arith.index_cast %mul3A_361 : i32 to index
        %get3A_371 = tpu.vector_load %arg6[%get3A_369, %get3A_370] {strides = array<i32>} : memref<8x512xf32, #tpu.memory_space<vmem>>, vector<16xf32>,
        %sub3A_372 = arith.subf %get3A_367, %broadcast_in_dim3A : vector<16xf32>
        %sub3A_373 = arith.subf %get3A_371, %broadcast_in_dim3A_63 : vector<16xf32>
        %mul3A_374 = arith.mulf %sub3A_372, %sub3A_372 : vector<16xf32>
        %mul3A_375 = arith.mulf %sub3A_373, %sub3A_373 : vector<16xf32>
        %add3A_376 = arith.addf %mul3A_374, %mul3A_375 : vector<16xf32>
        %max3A = arith.constant 9.99999996E-13 : f32
        %max3A_377 = vector.broadcast %max3A : f32 to vector<16xf32>
        %max3A_378 = arith.maximumf %add3A_376, %max3A_377 : vector<16xf32>
        %bitcast_convert_type3A = tpu.bitcast %max3A_378 : vector<16xf32> -> vector<16xi32>
        %shift_right_logical3A = arith.constant 1 : i32
        %shift_right_logical3A_379 = vector.broadcast %shift_right_logical3A : i32 to vector<16xi32>
        %shift_right_logical3A_380 = arith.shrui %bitcast_convert_type3A, %shift_right_logical3A_379 : vector<16xi32>
        %sub3A_381 = arith.constant 1597463007 : i32
        %sub3A_382 = vector.broadcast %sub3A_381 : i32 to vector<16xi32>
        %sub3A_383 = arith.subi %sub3A_382, %shift_right_logical3A_380 : vector<16xi32>
        %bitcast_convert_type3A_384 = tpu.bitcast %sub3A_383 : vector<16xi32> -> vector<16xf32>
        %mul3A_385 = arith.constant 5.000000e-01 : f32
        %mul3A_386 = vector.broadcast %mul3A_385 : f32 to vector<16xf32>
        %mul3A_387 = arith.mulf %max3A_378, %mul3A_386 : vector<16xf32>
        %mul3A_388 = arith.mulf %mul3A_387, %bitcast_convert_type3A_384 : vector<16xf32>
        %mul3A_389 = arith.mulf %mul3A_388, %bitcast_convert_type3A_384 : vector<16xf32>
        %sub3A_390 = arith.constant 1.500000e+00 : f32
        %sub3A_391 = vector.broadcast %sub3A_390 : f32 to vector<16xf32>
        %sub3A_392 = arith.subf %sub3A_391, %mul3A_389 : vector<16xf32>
        %mul3A_393 = arith.mulf %bitcast_convert_type3A_384, %sub3A_392 : vector<16xf32>
        %mul3A_394 = arith.mulf %mul3A_387, %mul3A_393 : vector<16xf32>
        %mul3A_395 = arith.mulf %mul3A_394, %mul3A_393 : vector<16xf32>
        %sub3A_396 = arith.constant 1.500000e+00 : f32
        %sub3A_397 = vector.broadcast %sub3A_396 : f32 to vector<16xf32>
        %sub3A_398 = arith.subf %sub3A_397, %mul3A_395 : vector<16xf32>
        %mul3A_399 = arith.mulf %mul3A_393, %sub3A_398 : vector<16xf32>
        %mul3A_400 = arith.mulf %mul3A_387, %mul3A_399 : vector<16xf32>
        %mul3A_401 = arith.mulf %mul3A_400, %mul3A_399 : vector<16xf32>
        %sub3A_402 = arith.constant 1.500000e+00 : f32
        %sub3A_403 = vector.broadcast %sub3A_402 : f32 to vector<16xf32>
        %sub3A_404 = arith.subf %sub3A_403, %mul3A_401 : vector<16xf32>
        %mul3A_405 = arith.mulf %mul3A_399, %sub3A_404 : vector<16xf32>
        %mul3A_406 = arith.mulf %max3A_378, %mul3A_405 : vector<16xf32>
        %add3A_407 = arith.addf %broadcast_in_dim3A_363, %mul3A_406 : vector<16xf32>
        %get3A_408 = arith.constant 2 : i32
        %get3A_409 = arith.index_cast %get3A_408 : i32 to index
        %get3A_410 = arith.index_cast %mul3A_361 : i32 to index
        %get3A_411 = tpu.vector_load %arg6[%get3A_409, %get3A_410] {strides = array<i32>} : memref<8x512xf32, #tpu.memory_space<vmem>>, vector<16xf32>,
        %get3A_412 = arith.constant 3 : i32
        %get3A_413 = arith.index_cast %get3A_412 : i32 to index
        %get3A_414 = arith.index_cast %mul3A_361 : i32 to index
        %get3A_415 = tpu.vector_load %arg6[%get3A_413, %get3A_414] {strides = array<i32>} : memref<8x512xf32, #tpu.memory_space<vmem>>, vector<16xf32>,
        %sub3A_416 = arith.subf %get3A_411, %broadcast_in_dim3A_69 : vector<16xf32>
        %sub3A_417 = arith.subf %get3A_415, %broadcast_in_dim3A_73 : vector<16xf32>
        %mul3A_418 = arith.mulf %sub3A_416, %sub3A_416 : vector<16xf32>
        %mul3A_419 = arith.mulf %sub3A_417, %sub3A_417 : vector<16xf32>
        %add3A_420 = arith.addf %mul3A_418, %mul3A_419 : vector<16xf32>
        %max3A_421 = arith.constant 9.99999996E-13 : f32
        %max3A_422 = vector.broadcast %max3A_421 : f32 to vector<16xf32>
        %max3A_423 = arith.maximumf %add3A_420, %max3A_422 : vector<16xf32>
        %bitcast_convert_type3A_424 = tpu.bitcast %max3A_423 : vector<16xf32> -> vector<16xi32>
        %shift_right_logical3A_425 = arith.constant 1 : i32
        %shift_right_logical3A_426 = vector.broadcast %shift_right_logical3A_425 : i32 to vector<16xi32>
        %shift_right_logical3A_427 = arith.shrui %bitcast_convert_type3A_424, %shift_right_logical3A_426 : vector<16xi32>
        %sub3A_428 = arith.constant 1597463007 : i32
        %sub3A_429 = vector.broadcast %sub3A_428 : i32 to vector<16xi32>
        %sub3A_430 = arith.subi %sub3A_429, %shift_right_logical3A_427 : vector<16xi32>
        %bitcast_convert_type3A_431 = tpu.bitcast %sub3A_430 : vector<16xi32> -> vector<16xf32>
        %mul3A_432 = arith.constant 5.000000e-01 : f32
        %mul3A_433 = vector.broadcast %mul3A_432 : f32 to vector<16xf32>
        %mul3A_434 = arith.mulf %max3A_423, %mul3A_433 : vector<16xf32>
        %mul3A_435 = arith.mulf %mul3A_434, %bitcast_convert_type3A_431 : vector<16xf32>
        %mul3A_436 = arith.mulf %mul3A_435, %bitcast_convert_type3A_431 : vector<16xf32>
        %sub3A_437 = arith.constant 1.500000e+00 : f32
        %sub3A_438 = vector.broadcast %sub3A_437 : f32 to vector<16xf32>
        %sub3A_439 = arith.subf %sub3A_438, %mul3A_436 : vector<16xf32>
        %mul3A_440 = arith.mulf %bitcast_convert_type3A_431, %sub3A_439 : vector<16xf32>
        %mul3A_441 = arith.mulf %mul3A_434, %mul3A_440 : vector<16xf32>
        %mul3A_442 = arith.mulf %mul3A_441, %mul3A_440 : vector<16xf32>
        %sub3A_443 = arith.constant 1.500000e+00 : f32
        %sub3A_444 = vector.broadcast %sub3A_443 : f32 to vector<16xf32>
        %sub3A_445 = arith.subf %sub3A_444, %mul3A_442 : vector<16xf32>
        %mul3A_446 = arith.mulf %mul3A_440, %sub3A_445 : vector<16xf32>
        %mul3A_447 = arith.mulf %mul3A_434, %mul3A_446 : vector<16xf32>
        %mul3A_448 = arith.mulf %mul3A_447, %mul3A_446 : vector<16xf32>
        %sub3A_449 = arith.constant 1.500000e+00 : f32
        %sub3A_450 = vector.broadcast %sub3A_449 : f32 to vector<16xf32>
        %sub3A_451 = arith.subf %sub3A_450, %mul3A_448 : vector<16xf32>
        %mul3A_452 = arith.mulf %mul3A_446, %sub3A_451 : vector<16xf32>
        %mul3A_453 = arith.mulf %max3A_423, %mul3A_452 : vector<16xf32>
        %add3A_454 = arith.addf %add3A_407, %mul3A_453 : vector<16xf32>
        %get3A_455 = arith.constant 4 : i32
        %get3A_456 = arith.index_cast %get3A_455 : i32 to index
        %get3A_457 = arith.index_cast %mul3A_361 : i32 to index
        %get3A_458 = tpu.vector_load %arg6[%get3A_456, %get3A_457] {strides = array<i32>} : memref<8x512xf32, #tpu.memory_space<vmem>>, vector<16xf32>,
        %get3A_459 = arith.constant 5 : i32
        %get3A_460 = arith.index_cast %get3A_459 : i32 to index
        %get3A_461 = arith.index_cast %mul3A_361 : i32 to index
        %get3A_462 = tpu.vector_load %arg6[%get3A_460, %get3A_461] {strides = array<i32>} : memref<8x512xf32, #tpu.memory_space<vmem>>, vector<16xf32>,
        %sub3A_463 = arith.subf %get3A_458, %broadcast_in_dim3A_79 : vector<16xf32>
        %sub3A_464 = arith.subf %get3A_462, %broadcast_in_dim3A_83 : vector<16xf32>
        %mul3A_465 = arith.mulf %sub3A_463, %sub3A_463 : vector<16xf32>
        %mul3A_466 = arith.mulf %sub3A_464, %sub3A_464 : vector<16xf32>
        %add3A_467 = arith.addf %mul3A_465, %mul3A_466 : vector<16xf32>
        %max3A_468 = arith.constant 9.99999996E-13 : f32
        %max3A_469 = vector.broadcast %max3A_468 : f32 to vector<16xf32>
        %max3A_470 = arith.maximumf %add3A_467, %max3A_469 : vector<16xf32>
        %bitcast_convert_type3A_471 = tpu.bitcast %max3A_470 : vector<16xf32> -> vector<16xi32>
        %shift_right_logical3A_472 = arith.constant 1 : i32
        %shift_right_logical3A_473 = vector.broadcast %shift_right_logical3A_472 : i32 to vector<16xi32>
        %shift_right_logical3A_474 = arith.shrui %bitcast_convert_type3A_471, %shift_right_logical3A_473 : vector<16xi32>
        %sub3A_475 = arith.constant 1597463007 : i32
        %sub3A_476 = vector.broadcast %sub3A_475 : i32 to vector<16xi32>
        %sub3A_477 = arith.subi %sub3A_476, %shift_right_logical3A_474 : vector<16xi32>
        %bitcast_convert_type3A_478 = tpu.bitcast %sub3A_477 : vector<16xi32> -> vector<16xf32>
        %mul3A_479 = arith.constant 5.000000e-01 : f32
        %mul3A_480 = vector.broadcast %mul3A_479 : f32 to vector<16xf32>
        %mul3A_481 = arith.mulf %max3A_470, %mul3A_480 : vector<16xf32>
        %mul3A_482 = arith.mulf %mul3A_481, %bitcast_convert_type3A_478 : vector<16xf32>
        %mul3A_483 = arith.mulf %mul3A_482, %bitcast_convert_type3A_478 : vector<16xf32>
        %sub3A_484 = arith.constant 1.500000e+00 : f32
        %sub3A_485 = vector.broadcast %sub3A_484 : f32 to vector<16xf32>
        %sub3A_486 = arith.subf %sub3A_485, %mul3A_483 : vector<16xf32>
        %mul3A_487 = arith.mulf %bitcast_convert_type3A_478, %sub3A_486 : vector<16xf32>
        %mul3A_488 = arith.mulf %mul3A_481, %mul3A_487 : vector<16xf32>
        %mul3A_489 = arith.mulf %mul3A_488, %mul3A_487 : vector<16xf32>
        %sub3A_490 = arith.constant 1.500000e+00 : f32
        %sub3A_491 = vector.broadcast %sub3A_490 : f32 to vector<16xf32>
        %sub3A_492 = arith.subf %sub3A_491, %mul3A_489 : vector<16xf32>
        %mul3A_493 = arith.mulf %mul3A_487, %sub3A_492 : vector<16xf32>
        %mul3A_494 = arith.mulf %mul3A_481, %mul3A_493 : vector<16xf32>
        %mul3A_495 = arith.mulf %mul3A_494, %mul3A_493 : vector<16xf32>
        %sub3A_496 = arith.constant 1.500000e+00 : f32
        %sub3A_497 = vector.broadcast %sub3A_496 : f32 to vector<16xf32>
        %sub3A_498 = arith.subf %sub3A_497, %mul3A_495 : vector<16xf32>
        %mul3A_499 = arith.mulf %mul3A_493, %sub3A_498 : vector<16xf32>
        %mul3A_500 = arith.mulf %max3A_470, %mul3A_499 : vector<16xf32>
        %add3A_501 = arith.addf %add3A_454, %mul3A_500 : vector<16xf32>
        %get3A_502 = arith.constant 6 : i32
        %get3A_503 = arith.index_cast %get3A_502 : i32 to index
        %get3A_504 = arith.index_cast %mul3A_361 : i32 to index
        %get3A_505 = tpu.vector_load %arg6[%get3A_503, %get3A_504] {strides = array<i32>} : memref<8x512xf32, #tpu.memory_space<vmem>>, vector<16xf32>,
        %get3A_506 = arith.constant 7 : i32
        %get3A_507 = arith.index_cast %get3A_506 : i32 to index
        %get3A_508 = arith.index_cast %mul3A_361 : i32 to index
        %get3A_509 = tpu.vector_load %arg6[%get3A_507, %get3A_508] {strides = array<i32>} : memref<8x512xf32, #tpu.memory_space<vmem>>, vector<16xf32>,
        %sub3A_510 = arith.subf %get3A_505, %broadcast_in_dim3A_89 : vector<16xf32>
        %sub3A_511 = arith.subf %get3A_509, %broadcast_in_dim3A_93 : vector<16xf32>
        %mul3A_512 = arith.mulf %sub3A_510, %sub3A_510 : vector<16xf32>
        %mul3A_513 = arith.mulf %sub3A_511, %sub3A_511 : vector<16xf32>
        %add3A_514 = arith.addf %mul3A_512, %mul3A_513 : vector<16xf32>
        %max3A_515 = arith.constant 9.99999996E-13 : f32
        %max3A_516 = vector.broadcast %max3A_515 : f32 to vector<16xf32>
        %max3A_517 = arith.maximumf %add3A_514, %max3A_516 : vector<16xf32>
        %bitcast_convert_type3A_518 = tpu.bitcast %max3A_517 : vector<16xf32> -> vector<16xi32>
        %shift_right_logical3A_519 = arith.constant 1 : i32
        %shift_right_logical3A_520 = vector.broadcast %shift_right_logical3A_519 : i32 to vector<16xi32>
        %shift_right_logical3A_521 = arith.shrui %bitcast_convert_type3A_518, %shift_right_logical3A_520 : vector<16xi32>
        %sub3A_522 = arith.constant 1597463007 : i32
        %sub3A_523 = vector.broadcast %sub3A_522 : i32 to vector<16xi32>
        %sub3A_524 = arith.subi %sub3A_523, %shift_right_logical3A_521 : vector<16xi32>
        %bitcast_convert_type3A_525 = tpu.bitcast %sub3A_524 : vector<16xi32> -> vector<16xf32>
        %mul3A_526 = arith.constant 5.000000e-01 : f32
        %mul3A_527 = vector.broadcast %mul3A_526 : f32 to vector<16xf32>
        %mul3A_528 = arith.mulf %max3A_517, %mul3A_527 : vector<16xf32>
        %mul3A_529 = arith.mulf %mul3A_528, %bitcast_convert_type3A_525 : vector<16xf32>
        %mul3A_530 = arith.mulf %mul3A_529, %bitcast_convert_type3A_525 : vector<16xf32>
        %sub3A_531 = arith.constant 1.500000e+00 : f32
        %sub3A_532 = vector.broadcast %sub3A_531 : f32 to vector<16xf32>
        %sub3A_533 = arith.subf %sub3A_532, %mul3A_530 : vector<16xf32>
        %mul3A_534 = arith.mulf %bitcast_convert_type3A_525, %sub3A_533 : vector<16xf32>
        %mul3A_535 = arith.mulf %mul3A_528, %mul3A_534 : vector<16xf32>
        %mul3A_536 = arith.mulf %mul3A_535, %mul3A_534 : vector<16xf32>
        %sub3A_537 = arith.constant 1.500000e+00 : f32
        %sub3A_538 = vector.broadcast %sub3A_537 : f32 to vector<16xf32>
        %sub3A_539 = arith.subf %sub3A_538, %mul3A_536 : vector<16xf32>
        %mul3A_540 = arith.mulf %mul3A_534, %sub3A_539 : vector<16xf32>
        %mul3A_541 = arith.mulf %mul3A_528, %mul3A_540 : vector<16xf32>
        %mul3A_542 = arith.mulf %mul3A_541, %mul3A_540 : vector<16xf32>
        %sub3A_543 = arith.constant 1.500000e+00 : f32
        %sub3A_544 = vector.broadcast %sub3A_543 : f32 to vector<16xf32>
        %sub3A_545 = arith.subf %sub3A_544, %mul3A_542 : vector<16xf32>
        %mul3A_546 = arith.mulf %mul3A_540, %sub3A_545 : vector<16xf32>
        %mul3A_547 = arith.mulf %max3A_517, %mul3A_546 : vector<16xf32>
        %add3A_548 = arith.addf %add3A_501, %mul3A_547 : vector<16xf32>
        %broadcast_in_dim3A_549 = vector.broadcast %mul3A_361 : i32 to vector<16xi32>
        %add3A_550 = arith.addi %broadcast_in_dim3A_549, %iota3A : vector<16xi32>
        %lt3A_551 = arith.cmpf olt, %add3A_548, %scan3A_358 : vector<16xf32>
        %select_n3A_552 = arith.select %lt3A_551, %add3A_548, %scan3A_358 : vector<16xi1>, vector<16xf32>
        %select_n3A_553 = arith.select %lt3A_551, %add3A_550, %scan3A_359 : vector<16xi1>, vector<16xi32>
        %scan3A_554 = arith.constant 1 : i32
        %scan3A_555 = arith.addi %scan3A_357, %scan3A_554 : i32
        %mul3A_556 = arith.constant 16 : i32
        %mul3A_557 = arith.muli %scan3A_555, %mul3A_556 : i32
        %broadcast_in_dim3A_558 = arith.constant 0.000000e+00 : f32
        %broadcast_in_dim3A_559 = vector.broadcast %broadcast_in_dim3A_558 : f32 to vector<16xf32>
        %get3A_560 = arith.constant 0 : i32
        %get3A_561 = arith.index_cast %get3A_560 : i32 to index
        %get3A_562 = arith.index_cast %mul3A_557 : i32 to index
        %get3A_563 = tpu.vector_load %arg6[%get3A_561, %get3A_562] {strides = array<i32>} : memref<8x512xf32, #tpu.memory_space<vmem>>, vector<16xf32>,
        %get3A_564 = arith.constant 1 : i32
        %get3A_565 = arith.index_cast %get3A_564 : i32 to index
        %get3A_566 = arith.index_cast %mul3A_557 : i32 to index
        %get3A_567 = tpu.vector_load %arg6[%get3A_565, %get3A_566] {strides = array<i32>} : memref<8x512xf32, #tpu.memory_space<vmem>>, vector<16xf32>,
        %sub3A_568 = arith.subf %get3A_563, %broadcast_in_dim3A : vector<16xf32>
        %sub3A_569 = arith.subf %get3A_567, %broadcast_in_dim3A_63 : vector<16xf32>
        %mul3A_570 = arith.mulf %sub3A_568, %sub3A_568 : vector<16xf32>
        %mul3A_571 = arith.mulf %sub3A_569, %sub3A_569 : vector<16xf32>
        %add3A_572 = arith.addf %mul3A_570, %mul3A_571 : vector<16xf32>
        %max3A_573 = arith.constant 9.99999996E-13 : f32
        %max3A_574 = vector.broadcast %max3A_573 : f32 to vector<16xf32>
        %max3A_575 = arith.maximumf %add3A_572, %max3A_574 : vector<16xf32>
        %bitcast_convert_type3A_576 = tpu.bitcast %max3A_575 : vector<16xf32> -> vector<16xi32>
        %shift_right_logical3A_577 = arith.constant 1 : i32
        %shift_right_logical3A_578 = vector.broadcast %shift_right_logical3A_577 : i32 to vector<16xi32>
        %shift_right_logical3A_579 = arith.shrui %bitcast_convert_type3A_576, %shift_right_logical3A_578 : vector<16xi32>
        %sub3A_580 = arith.constant 1597463007 : i32
        %sub3A_581 = vector.broadcast %sub3A_580 : i32 to vector<16xi32>
        %sub3A_582 = arith.subi %sub3A_581, %shift_right_logical3A_579 : vector<16xi32>
        %bitcast_convert_type3A_583 = tpu.bitcast %sub3A_582 : vector<16xi32> -> vector<16xf32>
        %mul3A_584 = arith.constant 5.000000e-01 : f32
        %mul3A_585 = vector.broadcast %mul3A_584 : f32 to vector<16xf32>
        %mul3A_586 = arith.mulf %max3A_575, %mul3A_585 : vector<16xf32>
        %mul3A_587 = arith.mulf %mul3A_586, %bitcast_convert_type3A_583 : vector<16xf32>
        %mul3A_588 = arith.mulf %mul3A_587, %bitcast_convert_type3A_583 : vector<16xf32>
        %sub3A_589 = arith.constant 1.500000e+00 : f32
        %sub3A_590 = vector.broadcast %sub3A_589 : f32 to vector<16xf32>
        %sub3A_591 = arith.subf %sub3A_590, %mul3A_588 : vector<16xf32>
        %mul3A_592 = arith.mulf %bitcast_convert_type3A_583, %sub3A_591 : vector<16xf32>
        %mul3A_593 = arith.mulf %mul3A_586, %mul3A_592 : vector<16xf32>
        %mul3A_594 = arith.mulf %mul3A_593, %mul3A_592 : vector<16xf32>
        %sub3A_595 = arith.constant 1.500000e+00 : f32
        %sub3A_596 = vector.broadcast %sub3A_595 : f32 to vector<16xf32>
        %sub3A_597 = arith.subf %sub3A_596, %mul3A_594 : vector<16xf32>
        %mul3A_598 = arith.mulf %mul3A_592, %sub3A_597 : vector<16xf32>
        %mul3A_599 = arith.mulf %mul3A_586, %mul3A_598 : vector<16xf32>
        %mul3A_600 = arith.mulf %mul3A_599, %mul3A_598 : vector<16xf32>
        %sub3A_601 = arith.constant 1.500000e+00 : f32
        %sub3A_602 = vector.broadcast %sub3A_601 : f32 to vector<16xf32>
        %sub3A_603 = arith.subf %sub3A_602, %mul3A_600 : vector<16xf32>
        %mul3A_604 = arith.mulf %mul3A_598, %sub3A_603 : vector<16xf32>
        %mul3A_605 = arith.mulf %max3A_575, %mul3A_604 : vector<16xf32>
        %add3A_606 = arith.addf %broadcast_in_dim3A_559, %mul3A_605 : vector<16xf32>
        %get3A_607 = arith.constant 2 : i32
        %get3A_608 = arith.index_cast %get3A_607 : i32 to index
        %get3A_609 = arith.index_cast %mul3A_557 : i32 to index
        %get3A_610 = tpu.vector_load %arg6[%get3A_608, %get3A_609] {strides = array<i32>} : memref<8x512xf32, #tpu.memory_space<vmem>>, vector<16xf32>,
        %get3A_611 = arith.constant 3 : i32
        %get3A_612 = arith.index_cast %get3A_611 : i32 to index
        %get3A_613 = arith.index_cast %mul3A_557 : i32 to index
        %get3A_614 = tpu.vector_load %arg6[%get3A_612, %get3A_613] {strides = array<i32>} : memref<8x512xf32, #tpu.memory_space<vmem>>, vector<16xf32>,
        %sub3A_615 = arith.subf %get3A_610, %broadcast_in_dim3A_69 : vector<16xf32>
        %sub3A_616 = arith.subf %get3A_614, %broadcast_in_dim3A_73 : vector<16xf32>
        %mul3A_617 = arith.mulf %sub3A_615, %sub3A_615 : vector<16xf32>
        %mul3A_618 = arith.mulf %sub3A_616, %sub3A_616 : vector<16xf32>
        %add3A_619 = arith.addf %mul3A_617, %mul3A_618 : vector<16xf32>
        %max3A_620 = arith.constant 9.99999996E-13 : f32
        %max3A_621 = vector.broadcast %max3A_620 : f32 to vector<16xf32>
        %max3A_622 = arith.maximumf %add3A_619, %max3A_621 : vector<16xf32>
        %bitcast_convert_type3A_623 = tpu.bitcast %max3A_622 : vector<16xf32> -> vector<16xi32>
        %shift_right_logical3A_624 = arith.constant 1 : i32
        %shift_right_logical3A_625 = vector.broadcast %shift_right_logical3A_624 : i32 to vector<16xi32>
        %shift_right_logical3A_626 = arith.shrui %bitcast_convert_type3A_623, %shift_right_logical3A_625 : vector<16xi32>
        %sub3A_627 = arith.constant 1597463007 : i32
        %sub3A_628 = vector.broadcast %sub3A_627 : i32 to vector<16xi32>
        %sub3A_629 = arith.subi %sub3A_628, %shift_right_logical3A_626 : vector<16xi32>
        %bitcast_convert_type3A_630 = tpu.bitcast %sub3A_629 : vector<16xi32> -> vector<16xf32>
        %mul3A_631 = arith.constant 5.000000e-01 : f32
        %mul3A_632 = vector.broadcast %mul3A_631 : f32 to vector<16xf32>
        %mul3A_633 = arith.mulf %max3A_622, %mul3A_632 : vector<16xf32>
        %mul3A_634 = arith.mulf %mul3A_633, %bitcast_convert_type3A_630 : vector<16xf32>
        %mul3A_635 = arith.mulf %mul3A_634, %bitcast_convert_type3A_630 : vector<16xf32>
        %sub3A_636 = arith.constant 1.500000e+00 : f32
        %sub3A_637 = vector.broadcast %sub3A_636 : f32 to vector<16xf32>
        %sub3A_638 = arith.subf %sub3A_637, %mul3A_635 : vector<16xf32>
        %mul3A_639 = arith.mulf %bitcast_convert_type3A_630, %sub3A_638 : vector<16xf32>
        %mul3A_640 = arith.mulf %mul3A_633, %mul3A_639 : vector<16xf32>
        %mul3A_641 = arith.mulf %mul3A_640, %mul3A_639 : vector<16xf32>
        %sub3A_642 = arith.constant 1.500000e+00 : f32
        %sub3A_643 = vector.broadcast %sub3A_642 : f32 to vector<16xf32>
        %sub3A_644 = arith.subf %sub3A_643, %mul3A_641 : vector<16xf32>
        %mul3A_645 = arith.mulf %mul3A_639, %sub3A_644 : vector<16xf32>
        %mul3A_646 = arith.mulf %mul3A_633, %mul3A_645 : vector<16xf32>
        %mul3A_647 = arith.mulf %mul3A_646, %mul3A_645 : vector<16xf32>
        %sub3A_648 = arith.constant 1.500000e+00 : f32
        %sub3A_649 = vector.broadcast %sub3A_648 : f32 to vector<16xf32>
        %sub3A_650 = arith.subf %sub3A_649, %mul3A_647 : vector<16xf32>
        %mul3A_651 = arith.mulf %mul3A_645, %sub3A_650 : vector<16xf32>
        %mul3A_652 = arith.mulf %max3A_622, %mul3A_651 : vector<16xf32>
        %add3A_653 = arith.addf %add3A_606, %mul3A_652 : vector<16xf32>
        %get3A_654 = arith.constant 4 : i32
        %get3A_655 = arith.index_cast %get3A_654 : i32 to index
        %get3A_656 = arith.index_cast %mul3A_557 : i32 to index
        %get3A_657 = tpu.vector_load %arg6[%get3A_655, %get3A_656] {strides = array<i32>} : memref<8x512xf32, #tpu.memory_space<vmem>>, vector<16xf32>,
        %get3A_658 = arith.constant 5 : i32
        %get3A_659 = arith.index_cast %get3A_658 : i32 to index
        %get3A_660 = arith.index_cast %mul3A_557 : i32 to index
        %get3A_661 = tpu.vector_load %arg6[%get3A_659, %get3A_660] {strides = array<i32>} : memref<8x512xf32, #tpu.memory_space<vmem>>, vector<16xf32>,
        %sub3A_662 = arith.subf %get3A_657, %broadcast_in_dim3A_79 : vector<16xf32>
        %sub3A_663 = arith.subf %get3A_661, %broadcast_in_dim3A_83 : vector<16xf32>
        %mul3A_664 = arith.mulf %sub3A_662, %sub3A_662 : vector<16xf32>
        %mul3A_665 = arith.mulf %sub3A_663, %sub3A_663 : vector<16xf32>
        %add3A_666 = arith.addf %mul3A_664, %mul3A_665 : vector<16xf32>
        %max3A_667 = arith.constant 9.99999996E-13 : f32
        %max3A_668 = vector.broadcast %max3A_667 : f32 to vector<16xf32>
        %max3A_669 = arith.maximumf %add3A_666, %max3A_668 : vector<16xf32>
        %bitcast_convert_type3A_670 = tpu.bitcast %max3A_669 : vector<16xf32> -> vector<16xi32>
        %shift_right_logical3A_671 = arith.constant 1 : i32
        %shift_right_logical3A_672 = vector.broadcast %shift_right_logical3A_671 : i32 to vector<16xi32>
        %shift_right_logical3A_673 = arith.shrui %bitcast_convert_type3A_670, %shift_right_logical3A_672 : vector<16xi32>
        %sub3A_674 = arith.constant 1597463007 : i32
        %sub3A_675 = vector.broadcast %sub3A_674 : i32 to vector<16xi32>
        %sub3A_676 = arith.subi %sub3A_675, %shift_right_logical3A_673 : vector<16xi32>
        %bitcast_convert_type3A_677 = tpu.bitcast %sub3A_676 : vector<16xi32> -> vector<16xf32>
        %mul3A_678 = arith.constant 5.000000e-01 : f32
        %mul3A_679 = vector.broadcast %mul3A_678 : f32 to vector<16xf32>
        %mul3A_680 = arith.mulf %max3A_669, %mul3A_679 : vector<16xf32>
        %mul3A_681 = arith.mulf %mul3A_680, %bitcast_convert_type3A_677 : vector<16xf32>
        %mul3A_682 = arith.mulf %mul3A_681, %bitcast_convert_type3A_677 : vector<16xf32>
        %sub3A_683 = arith.constant 1.500000e+00 : f32
        %sub3A_684 = vector.broadcast %sub3A_683 : f32 to vector<16xf32>
        %sub3A_685 = arith.subf %sub3A_684, %mul3A_682 : vector<16xf32>
        %mul3A_686 = arith.mulf %bitcast_convert_type3A_677, %sub3A_685 : vector<16xf32>
        %mul3A_687 = arith.mulf %mul3A_680, %mul3A_686 : vector<16xf32>
        %mul3A_688 = arith.mulf %mul3A_687, %mul3A_686 : vector<16xf32>
        %sub3A_689 = arith.constant 1.500000e+00 : f32
        %sub3A_690 = vector.broadcast %sub3A_689 : f32 to vector<16xf32>
        %sub3A_691 = arith.subf %sub3A_690, %mul3A_688 : vector<16xf32>
        %mul3A_692 = arith.mulf %mul3A_686, %sub3A_691 : vector<16xf32>
        %mul3A_693 = arith.mulf %mul3A_680, %mul3A_692 : vector<16xf32>
        %mul3A_694 = arith.mulf %mul3A_693, %mul3A_692 : vector<16xf32>
        %sub3A_695 = arith.constant 1.500000e+00 : f32
        %sub3A_696 = vector.broadcast %sub3A_695 : f32 to vector<16xf32>
        %sub3A_697 = arith.subf %sub3A_696, %mul3A_694 : vector<16xf32>
        %mul3A_698 = arith.mulf %mul3A_692, %sub3A_697 : vector<16xf32>
        %mul3A_699 = arith.mulf %max3A_669, %mul3A_698 : vector<16xf32>
        %add3A_700 = arith.addf %add3A_653, %mul3A_699 : vector<16xf32>
        %get3A_701 = arith.constant 6 : i32
        %get3A_702 = arith.index_cast %get3A_701 : i32 to index
        %get3A_703 = arith.index_cast %mul3A_557 : i32 to index
        %get3A_704 = tpu.vector_load %arg6[%get3A_702, %get3A_703] {strides = array<i32>} : memref<8x512xf32, #tpu.memory_space<vmem>>, vector<16xf32>,
        %get3A_705 = arith.constant 7 : i32
        %get3A_706 = arith.index_cast %get3A_705 : i32 to index
        %get3A_707 = arith.index_cast %mul3A_557 : i32 to index
        %get3A_708 = tpu.vector_load %arg6[%get3A_706, %get3A_707] {strides = array<i32>} : memref<8x512xf32, #tpu.memory_space<vmem>>, vector<16xf32>,
        %sub3A_709 = arith.subf %get3A_704, %broadcast_in_dim3A_89 : vector<16xf32>
        %sub3A_710 = arith.subf %get3A_708, %broadcast_in_dim3A_93 : vector<16xf32>
        %mul3A_711 = arith.mulf %sub3A_709, %sub3A_709 : vector<16xf32>
        %mul3A_712 = arith.mulf %sub3A_710, %sub3A_710 : vector<16xf32>
        %add3A_713 = arith.addf %mul3A_711, %mul3A_712 : vector<16xf32>
        %max3A_714 = arith.constant 9.99999996E-13 : f32
        %max3A_715 = vector.broadcast %max3A_714 : f32 to vector<16xf32>
        %max3A_716 = arith.maximumf %add3A_713, %max3A_715 : vector<16xf32>
        %bitcast_convert_type3A_717 = tpu.bitcast %max3A_716 : vector<16xf32> -> vector<16xi32>
        %shift_right_logical3A_718 = arith.constant 1 : i32
        %shift_right_logical3A_719 = vector.broadcast %shift_right_logical3A_718 : i32 to vector<16xi32>
        %shift_right_logical3A_720 = arith.shrui %bitcast_convert_type3A_717, %shift_right_logical3A_719 : vector<16xi32>
        %sub3A_721 = arith.constant 1597463007 : i32
        %sub3A_722 = vector.broadcast %sub3A_721 : i32 to vector<16xi32>
        %sub3A_723 = arith.subi %sub3A_722, %shift_right_logical3A_720 : vector<16xi32>
        %bitcast_convert_type3A_724 = tpu.bitcast %sub3A_723 : vector<16xi32> -> vector<16xf32>
        %mul3A_725 = arith.constant 5.000000e-01 : f32
        %mul3A_726 = vector.broadcast %mul3A_725 : f32 to vector<16xf32>
        %mul3A_727 = arith.mulf %max3A_716, %mul3A_726 : vector<16xf32>
        %mul3A_728 = arith.mulf %mul3A_727, %bitcast_convert_type3A_724 : vector<16xf32>
        %mul3A_729 = arith.mulf %mul3A_728, %bitcast_convert_type3A_724 : vector<16xf32>
        %sub3A_730 = arith.constant 1.500000e+00 : f32
        %sub3A_731 = vector.broadcast %sub3A_730 : f32 to vector<16xf32>
        %sub3A_732 = arith.subf %sub3A_731, %mul3A_729 : vector<16xf32>
        %mul3A_733 = arith.mulf %bitcast_convert_type3A_724, %sub3A_732 : vector<16xf32>
        %mul3A_734 = arith.mulf %mul3A_727, %mul3A_733 : vector<16xf32>
        %mul3A_735 = arith.mulf %mul3A_734, %mul3A_733 : vector<16xf32>
        %sub3A_736 = arith.constant 1.500000e+00 : f32
        %sub3A_737 = vector.broadcast %sub3A_736 : f32 to vector<16xf32>
        %sub3A_738 = arith.subf %sub3A_737, %mul3A_735 : vector<16xf32>
        %mul3A_739 = arith.mulf %mul3A_733, %sub3A_738 : vector<16xf32>
        %mul3A_740 = arith.mulf %mul3A_727, %mul3A_739 : vector<16xf32>
        %mul3A_741 = arith.mulf %mul3A_740, %mul3A_739 : vector<16xf32>
        %sub3A_742 = arith.constant 1.500000e+00 : f32
        %sub3A_743 = vector.broadcast %sub3A_742 : f32 to vector<16xf32>
        %sub3A_744 = arith.subf %sub3A_743, %mul3A_741 : vector<16xf32>
        %mul3A_745 = arith.mulf %mul3A_739, %sub3A_744 : vector<16xf32>
        %mul3A_746 = arith.mulf %max3A_716, %mul3A_745 : vector<16xf32>
        %add3A_747 = arith.addf %add3A_700, %mul3A_746 : vector<16xf32>
        %broadcast_in_dim3A_748 = vector.broadcast %mul3A_557 : i32 to vector<16xi32>
        %add3A_749 = arith.addi %broadcast_in_dim3A_748, %iota3A : vector<16xi32>
        %lt3A_750 = arith.cmpf olt, %add3A_747, %select_n3A_552 : vector<16xf32>
        %select_n3A_751 = arith.select %lt3A_750, %add3A_747, %select_n3A_552 : vector<16xi1>, vector<16xf32>
        %select_n3A_752 = arith.select %lt3A_750, %add3A_749, %select_n3A_553 : vector<16xi1>, vector<16xi32>
        %scan3A_753 = arith.constant 2 : i32
        %scan3A_754 = arith.addi %scan3A_357, %scan3A_753 : i32
        %mul3A_755 = arith.constant 16 : i32
        %mul3A_756 = arith.muli %scan3A_754, %mul3A_755 : i32
        %broadcast_in_dim3A_757 = arith.constant 0.000000e+00 : f32
        %broadcast_in_dim3A_758 = vector.broadcast %broadcast_in_dim3A_757 : f32 to vector<16xf32>
        %get3A_759 = arith.constant 0 : i32
        %get3A_760 = arith.index_cast %get3A_759 : i32 to index
        %get3A_761 = arith.index_cast %mul3A_756 : i32 to index
        %get3A_762 = tpu.vector_load %arg6[%get3A_760, %get3A_761] {strides = array<i32>} : memref<8x512xf32, #tpu.memory_space<vmem>>, vector<16xf32>,
        %get3A_763 = arith.constant 1 : i32
        %get3A_764 = arith.index_cast %get3A_763 : i32 to index
        %get3A_765 = arith.index_cast %mul3A_756 : i32 to index
        %get3A_766 = tpu.vector_load %arg6[%get3A_764, %get3A_765] {strides = array<i32>} : memref<8x512xf32, #tpu.memory_space<vmem>>, vector<16xf32>,
        %sub3A_767 = arith.subf %get3A_762, %broadcast_in_dim3A : vector<16xf32>
        %sub3A_768 = arith.subf %get3A_766, %broadcast_in_dim3A_63 : vector<16xf32>
        %mul3A_769 = arith.mulf %sub3A_767, %sub3A_767 : vector<16xf32>
        %mul3A_770 = arith.mulf %sub3A_768, %sub3A_768 : vector<16xf32>
        %add3A_771 = arith.addf %mul3A_769, %mul3A_770 : vector<16xf32>
        %max3A_772 = arith.constant 9.99999996E-13 : f32
        %max3A_773 = vector.broadcast %max3A_772 : f32 to vector<16xf32>
        %max3A_774 = arith.maximumf %add3A_771, %max3A_773 : vector<16xf32>
        %bitcast_convert_type3A_775 = tpu.bitcast %max3A_774 : vector<16xf32> -> vector<16xi32>
        %shift_right_logical3A_776 = arith.constant 1 : i32
        %shift_right_logical3A_777 = vector.broadcast %shift_right_logical3A_776 : i32 to vector<16xi32>
        %shift_right_logical3A_778 = arith.shrui %bitcast_convert_type3A_775, %shift_right_logical3A_777 : vector<16xi32>
        %sub3A_779 = arith.constant 1597463007 : i32
        %sub3A_780 = vector.broadcast %sub3A_779 : i32 to vector<16xi32>
        %sub3A_781 = arith.subi %sub3A_780, %shift_right_logical3A_778 : vector<16xi32>
        %bitcast_convert_type3A_782 = tpu.bitcast %sub3A_781 : vector<16xi32> -> vector<16xf32>
        %mul3A_783 = arith.constant 5.000000e-01 : f32
        %mul3A_784 = vector.broadcast %mul3A_783 : f32 to vector<16xf32>
        %mul3A_785 = arith.mulf %max3A_774, %mul3A_784 : vector<16xf32>
        %mul3A_786 = arith.mulf %mul3A_785, %bitcast_convert_type3A_782 : vector<16xf32>
        %mul3A_787 = arith.mulf %mul3A_786, %bitcast_convert_type3A_782 : vector<16xf32>
        %sub3A_788 = arith.constant 1.500000e+00 : f32
        %sub3A_789 = vector.broadcast %sub3A_788 : f32 to vector<16xf32>
        %sub3A_790 = arith.subf %sub3A_789, %mul3A_787 : vector<16xf32>
        %mul3A_791 = arith.mulf %bitcast_convert_type3A_782, %sub3A_790 : vector<16xf32>
        %mul3A_792 = arith.mulf %mul3A_785, %mul3A_791 : vector<16xf32>
        %mul3A_793 = arith.mulf %mul3A_792, %mul3A_791 : vector<16xf32>
        %sub3A_794 = arith.constant 1.500000e+00 : f32
        %sub3A_795 = vector.broadcast %sub3A_794 : f32 to vector<16xf32>
        %sub3A_796 = arith.subf %sub3A_795, %mul3A_793 : vector<16xf32>
        %mul3A_797 = arith.mulf %mul3A_791, %sub3A_796 : vector<16xf32>
        %mul3A_798 = arith.mulf %mul3A_785, %mul3A_797 : vector<16xf32>
        %mul3A_799 = arith.mulf %mul3A_798, %mul3A_797 : vector<16xf32>
        %sub3A_800 = arith.constant 1.500000e+00 : f32
        %sub3A_801 = vector.broadcast %sub3A_800 : f32 to vector<16xf32>
        %sub3A_802 = arith.subf %sub3A_801, %mul3A_799 : vector<16xf32>
        %mul3A_803 = arith.mulf %mul3A_797, %sub3A_802 : vector<16xf32>
        %mul3A_804 = arith.mulf %max3A_774, %mul3A_803 : vector<16xf32>
        %add3A_805 = arith.addf %broadcast_in_dim3A_758, %mul3A_804 : vector<16xf32>
        %get3A_806 = arith.constant 2 : i32
        %get3A_807 = arith.index_cast %get3A_806 : i32 to index
        %get3A_808 = arith.index_cast %mul3A_756 : i32 to index
        %get3A_809 = tpu.vector_load %arg6[%get3A_807, %get3A_808] {strides = array<i32>} : memref<8x512xf32, #tpu.memory_space<vmem>>, vector<16xf32>,
        %get3A_810 = arith.constant 3 : i32
        %get3A_811 = arith.index_cast %get3A_810 : i32 to index
        %get3A_812 = arith.index_cast %mul3A_756 : i32 to index
        %get3A_813 = tpu.vector_load %arg6[%get3A_811, %get3A_812] {strides = array<i32>} : memref<8x512xf32, #tpu.memory_space<vmem>>, vector<16xf32>,
        %sub3A_814 = arith.subf %get3A_809, %broadcast_in_dim3A_69 : vector<16xf32>
        %sub3A_815 = arith.subf %get3A_813, %broadcast_in_dim3A_73 : vector<16xf32>
        %mul3A_816 = arith.mulf %sub3A_814, %sub3A_814 : vector<16xf32>
        %mul3A_817 = arith.mulf %sub3A_815, %sub3A_815 : vector<16xf32>
        %add3A_818 = arith.addf %mul3A_816, %mul3A_817 : vector<16xf32>
        %max3A_819 = arith.constant 9.99999996E-13 : f32
        %max3A_820 = vector.broadcast %max3A_819 : f32 to vector<16xf32>
        %max3A_821 = arith.maximumf %add3A_818, %max3A_820 : vector<16xf32>
        %bitcast_convert_type3A_822 = tpu.bitcast %max3A_821 : vector<16xf32> -> vector<16xi32>
        %shift_right_logical3A_823 = arith.constant 1 : i32
        %shift_right_logical3A_824 = vector.broadcast %shift_right_logical3A_823 : i32 to vector<16xi32>
        %shift_right_logical3A_825 = arith.shrui %bitcast_convert_type3A_822, %shift_right_logical3A_824 : vector<16xi32>
        %sub3A_826 = arith.constant 1597463007 : i32
        %sub3A_827 = vector.broadcast %sub3A_826 : i32 to vector<16xi32>
        %sub3A_828 = arith.subi %sub3A_827, %shift_right_logical3A_825 : vector<16xi32>
        %bitcast_convert_type3A_829 = tpu.bitcast %sub3A_828 : vector<16xi32> -> vector<16xf32>
        %mul3A_830 = arith.constant 5.000000e-01 : f32
        %mul3A_831 = vector.broadcast %mul3A_830 : f32 to vector<16xf32>
        %mul3A_832 = arith.mulf %max3A_821, %mul3A_831 : vector<16xf32>
        %mul3A_833 = arith.mulf %mul3A_832, %bitcast_convert_type3A_829 : vector<16xf32>
        %mul3A_834 = arith.mulf %mul3A_833, %bitcast_convert_type3A_829 : vector<16xf32>
        %sub3A_835 = arith.constant 1.500000e+00 : f32
        %sub3A_836 = vector.broadcast %sub3A_835 : f32 to vector<16xf32>
        %sub3A_837 = arith.subf %sub3A_836, %mul3A_834 : vector<16xf32>
        %mul3A_838 = arith.mulf %bitcast_convert_type3A_829, %sub3A_837 : vector<16xf32>
        %mul3A_839 = arith.mulf %mul3A_832, %mul3A_838 : vector<16xf32>
        %mul3A_840 = arith.mulf %mul3A_839, %mul3A_838 : vector<16xf32>
        %sub3A_841 = arith.constant 1.500000e+00 : f32
        %sub3A_842 = vector.broadcast %sub3A_841 : f32 to vector<16xf32>
        %sub3A_843 = arith.subf %sub3A_842, %mul3A_840 : vector<16xf32>
        %mul3A_844 = arith.mulf %mul3A_838, %sub3A_843 : vector<16xf32>
        %mul3A_845 = arith.mulf %mul3A_832, %mul3A_844 : vector<16xf32>
        %mul3A_846 = arith.mulf %mul3A_845, %mul3A_844 : vector<16xf32>
        %sub3A_847 = arith.constant 1.500000e+00 : f32
        %sub3A_848 = vector.broadcast %sub3A_847 : f32 to vector<16xf32>
        %sub3A_849 = arith.subf %sub3A_848, %mul3A_846 : vector<16xf32>
        %mul3A_850 = arith.mulf %mul3A_844, %sub3A_849 : vector<16xf32>
        %mul3A_851 = arith.mulf %max3A_821, %mul3A_850 : vector<16xf32>
        %add3A_852 = arith.addf %add3A_805, %mul3A_851 : vector<16xf32>
        %get3A_853 = arith.constant 4 : i32
        %get3A_854 = arith.index_cast %get3A_853 : i32 to index
        %get3A_855 = arith.index_cast %mul3A_756 : i32 to index
        %get3A_856 = tpu.vector_load %arg6[%get3A_854, %get3A_855] {strides = array<i32>} : memref<8x512xf32, #tpu.memory_space<vmem>>, vector<16xf32>,
        %get3A_857 = arith.constant 5 : i32
        %get3A_858 = arith.index_cast %get3A_857 : i32 to index
        %get3A_859 = arith.index_cast %mul3A_756 : i32 to index
        %get3A_860 = tpu.vector_load %arg6[%get3A_858, %get3A_859] {strides = array<i32>} : memref<8x512xf32, #tpu.memory_space<vmem>>, vector<16xf32>,
        %sub3A_861 = arith.subf %get3A_856, %broadcast_in_dim3A_79 : vector<16xf32>
        %sub3A_862 = arith.subf %get3A_860, %broadcast_in_dim3A_83 : vector<16xf32>
        %mul3A_863 = arith.mulf %sub3A_861, %sub3A_861 : vector<16xf32>
        %mul3A_864 = arith.mulf %sub3A_862, %sub3A_862 : vector<16xf32>
        %add3A_865 = arith.addf %mul3A_863, %mul3A_864 : vector<16xf32>
        %max3A_866 = arith.constant 9.99999996E-13 : f32
        %max3A_867 = vector.broadcast %max3A_866 : f32 to vector<16xf32>
        %max3A_868 = arith.maximumf %add3A_865, %max3A_867 : vector<16xf32>
        %bitcast_convert_type3A_869 = tpu.bitcast %max3A_868 : vector<16xf32> -> vector<16xi32>
        %shift_right_logical3A_870 = arith.constant 1 : i32
        %shift_right_logical3A_871 = vector.broadcast %shift_right_logical3A_870 : i32 to vector<16xi32>
        %shift_right_logical3A_872 = arith.shrui %bitcast_convert_type3A_869, %shift_right_logical3A_871 : vector<16xi32>
        %sub3A_873 = arith.constant 1597463007 : i32
        %sub3A_874 = vector.broadcast %sub3A_873 : i32 to vector<16xi32>
        %sub3A_875 = arith.subi %sub3A_874, %shift_right_logical3A_872 : vector<16xi32>
        %bitcast_convert_type3A_876 = tpu.bitcast %sub3A_875 : vector<16xi32> -> vector<16xf32>
        %mul3A_877 = arith.constant 5.000000e-01 : f32
        %mul3A_878 = vector.broadcast %mul3A_877 : f32 to vector<16xf32>
        %mul3A_879 = arith.mulf %max3A_868, %mul3A_878 : vector<16xf32>
        %mul3A_880 = arith.mulf %mul3A_879, %bitcast_convert_type3A_876 : vector<16xf32>
        %mul3A_881 = arith.mulf %mul3A_880, %bitcast_convert_type3A_876 : vector<16xf32>
        %sub3A_882 = arith.constant 1.500000e+00 : f32
        %sub3A_883 = vector.broadcast %sub3A_882 : f32 to vector<16xf32>
        %sub3A_884 = arith.subf %sub3A_883, %mul3A_881 : vector<16xf32>
        %mul3A_885 = arith.mulf %bitcast_convert_type3A_876, %sub3A_884 : vector<16xf32>
        %mul3A_886 = arith.mulf %mul3A_879, %mul3A_885 : vector<16xf32>
        %mul3A_887 = arith.mulf %mul3A_886, %mul3A_885 : vector<16xf32>
        %sub3A_888 = arith.constant 1.500000e+00 : f32
        %sub3A_889 = vector.broadcast %sub3A_888 : f32 to vector<16xf32>
        %sub3A_890 = arith.subf %sub3A_889, %mul3A_887 : vector<16xf32>
        %mul3A_891 = arith.mulf %mul3A_885, %sub3A_890 : vector<16xf32>
        %mul3A_892 = arith.mulf %mul3A_879, %mul3A_891 : vector<16xf32>
        %mul3A_893 = arith.mulf %mul3A_892, %mul3A_891 : vector<16xf32>
        %sub3A_894 = arith.constant 1.500000e+00 : f32
        %sub3A_895 = vector.broadcast %sub3A_894 : f32 to vector<16xf32>
        %sub3A_896 = arith.subf %sub3A_895, %mul3A_893 : vector<16xf32>
        %mul3A_897 = arith.mulf %mul3A_891, %sub3A_896 : vector<16xf32>
        %mul3A_898 = arith.mulf %max3A_868, %mul3A_897 : vector<16xf32>
        %add3A_899 = arith.addf %add3A_852, %mul3A_898 : vector<16xf32>
        %get3A_900 = arith.constant 6 : i32
        %get3A_901 = arith.index_cast %get3A_900 : i32 to index
        %get3A_902 = arith.index_cast %mul3A_756 : i32 to index
        %get3A_903 = tpu.vector_load %arg6[%get3A_901, %get3A_902] {strides = array<i32>} : memref<8x512xf32, #tpu.memory_space<vmem>>, vector<16xf32>,
        %get3A_904 = arith.constant 7 : i32
        %get3A_905 = arith.index_cast %get3A_904 : i32 to index
        %get3A_906 = arith.index_cast %mul3A_756 : i32 to index
        %get3A_907 = tpu.vector_load %arg6[%get3A_905, %get3A_906] {strides = array<i32>} : memref<8x512xf32, #tpu.memory_space<vmem>>, vector<16xf32>,
        %sub3A_908 = arith.subf %get3A_903, %broadcast_in_dim3A_89 : vector<16xf32>
        %sub3A_909 = arith.subf %get3A_907, %broadcast_in_dim3A_93 : vector<16xf32>
        %mul3A_910 = arith.mulf %sub3A_908, %sub3A_908 : vector<16xf32>
        %mul3A_911 = arith.mulf %sub3A_909, %sub3A_909 : vector<16xf32>
        %add3A_912 = arith.addf %mul3A_910, %mul3A_911 : vector<16xf32>
        %max3A_913 = arith.constant 9.99999996E-13 : f32
        %max3A_914 = vector.broadcast %max3A_913 : f32 to vector<16xf32>
        %max3A_915 = arith.maximumf %add3A_912, %max3A_914 : vector<16xf32>
        %bitcast_convert_type3A_916 = tpu.bitcast %max3A_915 : vector<16xf32> -> vector<16xi32>
        %shift_right_logical3A_917 = arith.constant 1 : i32
        %shift_right_logical3A_918 = vector.broadcast %shift_right_logical3A_917 : i32 to vector<16xi32>
        %shift_right_logical3A_919 = arith.shrui %bitcast_convert_type3A_916, %shift_right_logical3A_918 : vector<16xi32>
        %sub3A_920 = arith.constant 1597463007 : i32
        %sub3A_921 = vector.broadcast %sub3A_920 : i32 to vector<16xi32>
        %sub3A_922 = arith.subi %sub3A_921, %shift_right_logical3A_919 : vector<16xi32>
        %bitcast_convert_type3A_923 = tpu.bitcast %sub3A_922 : vector<16xi32> -> vector<16xf32>
        %mul3A_924 = arith.constant 5.000000e-01 : f32
        %mul3A_925 = vector.broadcast %mul3A_924 : f32 to vector<16xf32>
        %mul3A_926 = arith.mulf %max3A_915, %mul3A_925 : vector<16xf32>
        %mul3A_927 = arith.mulf %mul3A_926, %bitcast_convert_type3A_923 : vector<16xf32>
        %mul3A_928 = arith.mulf %mul3A_927, %bitcast_convert_type3A_923 : vector<16xf32>
        %sub3A_929 = arith.constant 1.500000e+00 : f32
        %sub3A_930 = vector.broadcast %sub3A_929 : f32 to vector<16xf32>
        %sub3A_931 = arith.subf %sub3A_930, %mul3A_928 : vector<16xf32>
        %mul3A_932 = arith.mulf %bitcast_convert_type3A_923, %sub3A_931 : vector<16xf32>
        %mul3A_933 = arith.mulf %mul3A_926, %mul3A_932 : vector<16xf32>
        %mul3A_934 = arith.mulf %mul3A_933, %mul3A_932 : vector<16xf32>
        %sub3A_935 = arith.constant 1.500000e+00 : f32
        %sub3A_936 = vector.broadcast %sub3A_935 : f32 to vector<16xf32>
        %sub3A_937 = arith.subf %sub3A_936, %mul3A_934 : vector<16xf32>
        %mul3A_938 = arith.mulf %mul3A_932, %sub3A_937 : vector<16xf32>
        %mul3A_939 = arith.mulf %mul3A_926, %mul3A_938 : vector<16xf32>
        %mul3A_940 = arith.mulf %mul3A_939, %mul3A_938 : vector<16xf32>
        %sub3A_941 = arith.constant 1.500000e+00 : f32
        %sub3A_942 = vector.broadcast %sub3A_941 : f32 to vector<16xf32>
        %sub3A_943 = arith.subf %sub3A_942, %mul3A_940 : vector<16xf32>
        %mul3A_944 = arith.mulf %mul3A_938, %sub3A_943 : vector<16xf32>
        %mul3A_945 = arith.mulf %max3A_915, %mul3A_944 : vector<16xf32>
        %add3A_946 = arith.addf %add3A_899, %mul3A_945 : vector<16xf32>
        %broadcast_in_dim3A_947 = vector.broadcast %mul3A_756 : i32 to vector<16xi32>
        %add3A_948 = arith.addi %broadcast_in_dim3A_947, %iota3A : vector<16xi32>
        %lt3A_949 = arith.cmpf olt, %add3A_946, %select_n3A_751 : vector<16xf32>
        %select_n3A_950 = arith.select %lt3A_949, %add3A_946, %select_n3A_751 : vector<16xi1>, vector<16xf32>
        %select_n3A_951 = arith.select %lt3A_949, %add3A_948, %select_n3A_752 : vector<16xi1>, vector<16xi32>
        %scan3A_952 = arith.constant 3 : i32
        %scan3A_953 = arith.addi %scan3A_357, %scan3A_952 : i32
        %mul3A_954 = arith.constant 16 : i32
        %mul3A_955 = arith.muli %scan3A_953, %mul3A_954 : i32
        %broadcast_in_dim3A_956 = arith.constant 0.000000e+00 : f32
        %broadcast_in_dim3A_957 = vector.broadcast %broadcast_in_dim3A_956 : f32 to vector<16xf32>
        %get3A_958 = arith.constant 0 : i32
        %get3A_959 = arith.index_cast %get3A_958 : i32 to index
        %get3A_960 = arith.index_cast %mul3A_955 : i32 to index
        %get3A_961 = tpu.vector_load %arg6[%get3A_959, %get3A_960] {strides = array<i32>} : memref<8x512xf32, #tpu.memory_space<vmem>>, vector<16xf32>,
        %get3A_962 = arith.constant 1 : i32
        %get3A_963 = arith.index_cast %get3A_962 : i32 to index
        %get3A_964 = arith.index_cast %mul3A_955 : i32 to index
        %get3A_965 = tpu.vector_load %arg6[%get3A_963, %get3A_964] {strides = array<i32>} : memref<8x512xf32, #tpu.memory_space<vmem>>, vector<16xf32>,
        %sub3A_966 = arith.subf %get3A_961, %broadcast_in_dim3A : vector<16xf32>
        %sub3A_967 = arith.subf %get3A_965, %broadcast_in_dim3A_63 : vector<16xf32>
        %mul3A_968 = arith.mulf %sub3A_966, %sub3A_966 : vector<16xf32>
        %mul3A_969 = arith.mulf %sub3A_967, %sub3A_967 : vector<16xf32>
        %add3A_970 = arith.addf %mul3A_968, %mul3A_969 : vector<16xf32>
        %max3A_971 = arith.constant 9.99999996E-13 : f32
        %max3A_972 = vector.broadcast %max3A_971 : f32 to vector<16xf32>
        %max3A_973 = arith.maximumf %add3A_970, %max3A_972 : vector<16xf32>
        %bitcast_convert_type3A_974 = tpu.bitcast %max3A_973 : vector<16xf32> -> vector<16xi32>
        %shift_right_logical3A_975 = arith.constant 1 : i32
        %shift_right_logical3A_976 = vector.broadcast %shift_right_logical3A_975 : i32 to vector<16xi32>
        %shift_right_logical3A_977 = arith.shrui %bitcast_convert_type3A_974, %shift_right_logical3A_976 : vector<16xi32>
        %sub3A_978 = arith.constant 1597463007 : i32
        %sub3A_979 = vector.broadcast %sub3A_978 : i32 to vector<16xi32>
        %sub3A_980 = arith.subi %sub3A_979, %shift_right_logical3A_977 : vector<16xi32>
        %bitcast_convert_type3A_981 = tpu.bitcast %sub3A_980 : vector<16xi32> -> vector<16xf32>
        %mul3A_982 = arith.constant 5.000000e-01 : f32
        %mul3A_983 = vector.broadcast %mul3A_982 : f32 to vector<16xf32>
        %mul3A_984 = arith.mulf %max3A_973, %mul3A_983 : vector<16xf32>
        %mul3A_985 = arith.mulf %mul3A_984, %bitcast_convert_type3A_981 : vector<16xf32>
        %mul3A_986 = arith.mulf %mul3A_985, %bitcast_convert_type3A_981 : vector<16xf32>
        %sub3A_987 = arith.constant 1.500000e+00 : f32
        %sub3A_988 = vector.broadcast %sub3A_987 : f32 to vector<16xf32>
        %sub3A_989 = arith.subf %sub3A_988, %mul3A_986 : vector<16xf32>
        %mul3A_990 = arith.mulf %bitcast_convert_type3A_981, %sub3A_989 : vector<16xf32>
        %mul3A_991 = arith.mulf %mul3A_984, %mul3A_990 : vector<16xf32>
        %mul3A_992 = arith.mulf %mul3A_991, %mul3A_990 : vector<16xf32>
        %sub3A_993 = arith.constant 1.500000e+00 : f32
        %sub3A_994 = vector.broadcast %sub3A_993 : f32 to vector<16xf32>
        %sub3A_995 = arith.subf %sub3A_994, %mul3A_992 : vector<16xf32>
        %mul3A_996 = arith.mulf %mul3A_990, %sub3A_995 : vector<16xf32>
        %mul3A_997 = arith.mulf %mul3A_984, %mul3A_996 : vector<16xf32>
        %mul3A_998 = arith.mulf %mul3A_997, %mul3A_996 : vector<16xf32>
        %sub3A_999 = arith.constant 1.500000e+00 : f32
        %sub3A_1000 = vector.broadcast %sub3A_999 : f32 to vector<16xf32>
        %sub3A_1001 = arith.subf %sub3A_1000, %mul3A_998 : vector<16xf32>
        %mul3A_1002 = arith.mulf %mul3A_996, %sub3A_1001 : vector<16xf32>
        %mul3A_1003 = arith.mulf %max3A_973, %mul3A_1002 : vector<16xf32>
        %add3A_1004 = arith.addf %broadcast_in_dim3A_957, %mul3A_1003 : vector<16xf32>
        %get3A_1005 = arith.constant 2 : i32
        %get3A_1006 = arith.index_cast %get3A_1005 : i32 to index
        %get3A_1007 = arith.index_cast %mul3A_955 : i32 to index
        %get3A_1008 = tpu.vector_load %arg6[%get3A_1006, %get3A_1007] {strides = array<i32>} : memref<8x512xf32, #tpu.memory_space<vmem>>, vector<16xf32>,
        %get3A_1009 = arith.constant 3 : i32
        %get3A_1010 = arith.index_cast %get3A_1009 : i32 to index
        %get3A_1011 = arith.index_cast %mul3A_955 : i32 to index
        %get3A_1012 = tpu.vector_load %arg6[%get3A_1010, %get3A_1011] {strides = array<i32>} : memref<8x512xf32, #tpu.memory_space<vmem>>, vector<16xf32>,
        %sub3A_1013 = arith.subf %get3A_1008, %broadcast_in_dim3A_69 : vector<16xf32>
        %sub3A_1014 = arith.subf %get3A_1012, %broadcast_in_dim3A_73 : vector<16xf32>
        %mul3A_1015 = arith.mulf %sub3A_1013, %sub3A_1013 : vector<16xf32>
        %mul3A_1016 = arith.mulf %sub3A_1014, %sub3A_1014 : vector<16xf32>
        %add3A_1017 = arith.addf %mul3A_1015, %mul3A_1016 : vector<16xf32>
        %max3A_1018 = arith.constant 9.99999996E-13 : f32
        %max3A_1019 = vector.broadcast %max3A_1018 : f32 to vector<16xf32>
        %max3A_1020 = arith.maximumf %add3A_1017, %max3A_1019 : vector<16xf32>
        %bitcast_convert_type3A_1021 = tpu.bitcast %max3A_1020 : vector<16xf32> -> vector<16xi32>
        %shift_right_logical3A_1022 = arith.constant 1 : i32
        %shift_right_logical3A_1023 = vector.broadcast %shift_right_logical3A_1022 : i32 to vector<16xi32>
        %shift_right_logical3A_1024 = arith.shrui %bitcast_convert_type3A_1021, %shift_right_logical3A_1023 : vector<16xi32>
        %sub3A_1025 = arith.constant 1597463007 : i32
        %sub3A_1026 = vector.broadcast %sub3A_1025 : i32 to vector<16xi32>
        %sub3A_1027 = arith.subi %sub3A_1026, %shift_right_logical3A_1024 : vector<16xi32>
        %bitcast_convert_type3A_1028 = tpu.bitcast %sub3A_1027 : vector<16xi32> -> vector<16xf32>
        %mul3A_1029 = arith.constant 5.000000e-01 : f32
        %mul3A_1030 = vector.broadcast %mul3A_1029 : f32 to vector<16xf32>
        %mul3A_1031 = arith.mulf %max3A_1020, %mul3A_1030 : vector<16xf32>
        %mul3A_1032 = arith.mulf %mul3A_1031, %bitcast_convert_type3A_1028 : vector<16xf32>
        %mul3A_1033 = arith.mulf %mul3A_1032, %bitcast_convert_type3A_1028 : vector<16xf32>
        %sub3A_1034 = arith.constant 1.500000e+00 : f32
        %sub3A_1035 = vector.broadcast %sub3A_1034 : f32 to vector<16xf32>
        %sub3A_1036 = arith.subf %sub3A_1035, %mul3A_1033 : vector<16xf32>
        %mul3A_1037 = arith.mulf %bitcast_convert_type3A_1028, %sub3A_1036 : vector<16xf32>
        %mul3A_1038 = arith.mulf %mul3A_1031, %mul3A_1037 : vector<16xf32>
        %mul3A_1039 = arith.mulf %mul3A_1038, %mul3A_1037 : vector<16xf32>
        %sub3A_1040 = arith.constant 1.500000e+00 : f32
        %sub3A_1041 = vector.broadcast %sub3A_1040 : f32 to vector<16xf32>
        %sub3A_1042 = arith.subf %sub3A_1041, %mul3A_1039 : vector<16xf32>
        %mul3A_1043 = arith.mulf %mul3A_1037, %sub3A_1042 : vector<16xf32>
        %mul3A_1044 = arith.mulf %mul3A_1031, %mul3A_1043 : vector<16xf32>
        %mul3A_1045 = arith.mulf %mul3A_1044, %mul3A_1043 : vector<16xf32>
        %sub3A_1046 = arith.constant 1.500000e+00 : f32
        %sub3A_1047 = vector.broadcast %sub3A_1046 : f32 to vector<16xf32>
        %sub3A_1048 = arith.subf %sub3A_1047, %mul3A_1045 : vector<16xf32>
        %mul3A_1049 = arith.mulf %mul3A_1043, %sub3A_1048 : vector<16xf32>
        %mul3A_1050 = arith.mulf %max3A_1020, %mul3A_1049 : vector<16xf32>
        %add3A_1051 = arith.addf %add3A_1004, %mul3A_1050 : vector<16xf32>
        %get3A_1052 = arith.constant 4 : i32
        %get3A_1053 = arith.index_cast %get3A_1052 : i32 to index
        %get3A_1054 = arith.index_cast %mul3A_955 : i32 to index
        %get3A_1055 = tpu.vector_load %arg6[%get3A_1053, %get3A_1054] {strides = array<i32>} : memref<8x512xf32, #tpu.memory_space<vmem>>, vector<16xf32>,
        %get3A_1056 = arith.constant 5 : i32
        %get3A_1057 = arith.index_cast %get3A_1056 : i32 to index
        %get3A_1058 = arith.index_cast %mul3A_955 : i32 to index
        %get3A_1059 = tpu.vector_load %arg6[%get3A_1057, %get3A_1058] {strides = array<i32>} : memref<8x512xf32, #tpu.memory_space<vmem>>, vector<16xf32>,
        %sub3A_1060 = arith.subf %get3A_1055, %broadcast_in_dim3A_79 : vector<16xf32>
        %sub3A_1061 = arith.subf %get3A_1059, %broadcast_in_dim3A_83 : vector<16xf32>
        %mul3A_1062 = arith.mulf %sub3A_1060, %sub3A_1060 : vector<16xf32>
        %mul3A_1063 = arith.mulf %sub3A_1061, %sub3A_1061 : vector<16xf32>
        %add3A_1064 = arith.addf %mul3A_1062, %mul3A_1063 : vector<16xf32>
        %max3A_1065 = arith.constant 9.99999996E-13 : f32
        %max3A_1066 = vector.broadcast %max3A_1065 : f32 to vector<16xf32>
        %max3A_1067 = arith.maximumf %add3A_1064, %max3A_1066 : vector<16xf32>
        %bitcast_convert_type3A_1068 = tpu.bitcast %max3A_1067 : vector<16xf32> -> vector<16xi32>
        %shift_right_logical3A_1069 = arith.constant 1 : i32
        %shift_right_logical3A_1070 = vector.broadcast %shift_right_logical3A_1069 : i32 to vector<16xi32>
        %shift_right_logical3A_1071 = arith.shrui %bitcast_convert_type3A_1068, %shift_right_logical3A_1070 : vector<16xi32>
        %sub3A_1072 = arith.constant 1597463007 : i32
        %sub3A_1073 = vector.broadcast %sub3A_1072 : i32 to vector<16xi32>
        %sub3A_1074 = arith.subi %sub3A_1073, %shift_right_logical3A_1071 : vector<16xi32>
        %bitcast_convert_type3A_1075 = tpu.bitcast %sub3A_1074 : vector<16xi32> -> vector<16xf32>
        %mul3A_1076 = arith.constant 5.000000e-01 : f32
        %mul3A_1077 = vector.broadcast %mul3A_1076 : f32 to vector<16xf32>
        %mul3A_1078 = arith.mulf %max3A_1067, %mul3A_1077 : vector<16xf32>
        %mul3A_1079 = arith.mulf %mul3A_1078, %bitcast_convert_type3A_1075 : vector<16xf32>
        %mul3A_1080 = arith.mulf %mul3A_1079, %bitcast_convert_type3A_1075 : vector<16xf32>
        %sub3A_1081 = arith.constant 1.500000e+00 : f32
        %sub3A_1082 = vector.broadcast %sub3A_1081 : f32 to vector<16xf32>
        %sub3A_1083 = arith.subf %sub3A_1082, %mul3A_1080 : vector<16xf32>
        %mul3A_1084 = arith.mulf %bitcast_convert_type3A_1075, %sub3A_1083 : vector<16xf32>
        %mul3A_1085 = arith.mulf %mul3A_1078, %mul3A_1084 : vector<16xf32>
        %mul3A_1086 = arith.mulf %mul3A_1085, %mul3A_1084 : vector<16xf32>
        %sub3A_1087 = arith.constant 1.500000e+00 : f32
        %sub3A_1088 = vector.broadcast %sub3A_1087 : f32 to vector<16xf32>
        %sub3A_1089 = arith.subf %sub3A_1088, %mul3A_1086 : vector<16xf32>
        %mul3A_1090 = arith.mulf %mul3A_1084, %sub3A_1089 : vector<16xf32>
        %mul3A_1091 = arith.mulf %mul3A_1078, %mul3A_1090 : vector<16xf32>
        %mul3A_1092 = arith.mulf %mul3A_1091, %mul3A_1090 : vector<16xf32>
        %sub3A_1093 = arith.constant 1.500000e+00 : f32
        %sub3A_1094 = vector.broadcast %sub3A_1093 : f32 to vector<16xf32>
        %sub3A_1095 = arith.subf %sub3A_1094, %mul3A_1092 : vector<16xf32>
        %mul3A_1096 = arith.mulf %mul3A_1090, %sub3A_1095 : vector<16xf32>
        %mul3A_1097 = arith.mulf %max3A_1067, %mul3A_1096 : vector<16xf32>
        %add3A_1098 = arith.addf %add3A_1051, %mul3A_1097 : vector<16xf32>
        %get3A_1099 = arith.constant 6 : i32
        %get3A_1100 = arith.index_cast %get3A_1099 : i32 to index
        %get3A_1101 = arith.index_cast %mul3A_955 : i32 to index
        %get3A_1102 = tpu.vector_load %arg6[%get3A_1100, %get3A_1101] {strides = array<i32>} : memref<8x512xf32, #tpu.memory_space<vmem>>, vector<16xf32>,
        %get3A_1103 = arith.constant 7 : i32
        %get3A_1104 = arith.index_cast %get3A_1103 : i32 to index
        %get3A_1105 = arith.index_cast %mul3A_955 : i32 to index
        %get3A_1106 = tpu.vector_load %arg6[%get3A_1104, %get3A_1105] {strides = array<i32>} : memref<8x512xf32, #tpu.memory_space<vmem>>, vector<16xf32>,
        %sub3A_1107 = arith.subf %get3A_1102, %broadcast_in_dim3A_89 : vector<16xf32>
        %sub3A_1108 = arith.subf %get3A_1106, %broadcast_in_dim3A_93 : vector<16xf32>
        %mul3A_1109 = arith.mulf %sub3A_1107, %sub3A_1107 : vector<16xf32>
        %mul3A_1110 = arith.mulf %sub3A_1108, %sub3A_1108 : vector<16xf32>
        %add3A_1111 = arith.addf %mul3A_1109, %mul3A_1110 : vector<16xf32>
        %max3A_1112 = arith.constant 9.99999996E-13 : f32
        %max3A_1113 = vector.broadcast %max3A_1112 : f32 to vector<16xf32>
        %max3A_1114 = arith.maximumf %add3A_1111, %max3A_1113 : vector<16xf32>
        %bitcast_convert_type3A_1115 = tpu.bitcast %max3A_1114 : vector<16xf32> -> vector<16xi32>
        %shift_right_logical3A_1116 = arith.constant 1 : i32
        %shift_right_logical3A_1117 = vector.broadcast %shift_right_logical3A_1116 : i32 to vector<16xi32>
        %shift_right_logical3A_1118 = arith.shrui %bitcast_convert_type3A_1115, %shift_right_logical3A_1117 : vector<16xi32>
        %sub3A_1119 = arith.constant 1597463007 : i32
        %sub3A_1120 = vector.broadcast %sub3A_1119 : i32 to vector<16xi32>
        %sub3A_1121 = arith.subi %sub3A_1120, %shift_right_logical3A_1118 : vector<16xi32>
        %bitcast_convert_type3A_1122 = tpu.bitcast %sub3A_1121 : vector<16xi32> -> vector<16xf32>
        %mul3A_1123 = arith.constant 5.000000e-01 : f32
        %mul3A_1124 = vector.broadcast %mul3A_1123 : f32 to vector<16xf32>
        %mul3A_1125 = arith.mulf %max3A_1114, %mul3A_1124 : vector<16xf32>
        %mul3A_1126 = arith.mulf %mul3A_1125, %bitcast_convert_type3A_1122 : vector<16xf32>
        %mul3A_1127 = arith.mulf %mul3A_1126, %bitcast_convert_type3A_1122 : vector<16xf32>
        %sub3A_1128 = arith.constant 1.500000e+00 : f32
        %sub3A_1129 = vector.broadcast %sub3A_1128 : f32 to vector<16xf32>
        %sub3A_1130 = arith.subf %sub3A_1129, %mul3A_1127 : vector<16xf32>
        %mul3A_1131 = arith.mulf %bitcast_convert_type3A_1122, %sub3A_1130 : vector<16xf32>
        %mul3A_1132 = arith.mulf %mul3A_1125, %mul3A_1131 : vector<16xf32>
        %mul3A_1133 = arith.mulf %mul3A_1132, %mul3A_1131 : vector<16xf32>
        %sub3A_1134 = arith.constant 1.500000e+00 : f32
        %sub3A_1135 = vector.broadcast %sub3A_1134 : f32 to vector<16xf32>
        %sub3A_1136 = arith.subf %sub3A_1135, %mul3A_1133 : vector<16xf32>
        %mul3A_1137 = arith.mulf %mul3A_1131, %sub3A_1136 : vector<16xf32>
        %mul3A_1138 = arith.mulf %mul3A_1125, %mul3A_1137 : vector<16xf32>
        %mul3A_1139 = arith.mulf %mul3A_1138, %mul3A_1137 : vector<16xf32>
        %sub3A_1140 = arith.constant 1.500000e+00 : f32
        %sub3A_1141 = vector.broadcast %sub3A_1140 : f32 to vector<16xf32>
        %sub3A_1142 = arith.subf %sub3A_1141, %mul3A_1139 : vector<16xf32>
        %mul3A_1143 = arith.mulf %mul3A_1137, %sub3A_1142 : vector<16xf32>
        %mul3A_1144 = arith.mulf %max3A_1114, %mul3A_1143 : vector<16xf32>
        %add3A_1145 = arith.addf %add3A_1098, %mul3A_1144 : vector<16xf32>
        %broadcast_in_dim3A_1146 = vector.broadcast %mul3A_955 : i32 to vector<16xi32>
        %add3A_1147 = arith.addi %broadcast_in_dim3A_1146, %iota3A : vector<16xi32>
        %lt3A_1148 = arith.cmpf olt, %add3A_1145, %select_n3A_950 : vector<16xf32>
        %select_n3A_1149 = arith.select %lt3A_1148, %add3A_1145, %select_n3A_950 : vector<16xi1>, vector<16xf32>
        %select_n3A_1150 = arith.select %lt3A_1148, %add3A_1147, %select_n3A_951 : vector<16xi1>, vector<16xi32>
        scf.yield %select_n3A_1149, %select_n3A_1150 : vector<16xf32>, vector<16xi32>
      }
      %scan3A_103 = arith.constant 32 : i32
      %reduce_min3A = arith.constant true
      %reduce_min3A_104 = vector.broadcast %reduce_min3A : i1 to vector<16xi1>
      %reduce_min3A_105 = tpu.scan <min>, %scan3A_102#0 masked %reduce_min3A_104 : vector<16xf32>, vector<16xi1> -> vector<16xf32>
      %reduce_min3A_106 = vector.extract %reduce_min3A_105[15] : f32 from vector<16xf32>
      %eq3A_107 = vector.broadcast %reduce_min3A_106 : f32 to vector<16xf32>
      %eq3A_108 = arith.cmpf oeq, %scan3A_102#0, %eq3A_107 : vector<16xf32>
      %jit3A = arith.constant 1073741824 : i32
      %broadcast_in_dim3A_109 = vector.broadcast %jit3A : i32 to vector<16xi32>
      %select_n3A = arith.select %eq3A_108, %scan3A_102#1, %broadcast_in_dim3A_109 : vector<16xi1>, vector<16xi32>
      %reduce_min3A_110 = arith.constant true
      %reduce_min3A_111 = vector.broadcast %reduce_min3A_110 : i1 to vector<16xi1>
      %reduce_min3A_112 = arith.constant -2147483648 : i32
      %reduce_min3A_113 = vector.broadcast %reduce_min3A_112 : i32 to vector<16xi32>
      %reduce_min3A_114 = arith.xori %select_n3A, %reduce_min3A_113 : vector<16xi32>
      %reduce_min3A_115 = tpu.scan <min>, %reduce_min3A_114 masked %reduce_min3A_111 : vector<16xi32>, vector<16xi1> -> vector<16xi32>
      %reduce_min3A_116 = arith.xori %reduce_min3A_115, %reduce_min3A_113 : vector<16xi32>
      %reduce_min3A_117 = vector.extract %reduce_min3A_116[15] : i32 from vector<16xi32>
      %add3A_118 = arith.addi %reduce_min3A_117, %mul3A_0 : i32
      %convert_element_type3A_119 = arith.sitofp %add3A_118 : i32 to f32
      %eq3A_120 = arith.constant 0 : i32
      %eq3A_121 = vector.broadcast %eq3A_120 : i32 to vector<16xi32>
      %eq3A_122 = arith.cmpi eq, %iota3A, %eq3A_121 : vector<16xi32>
      %broadcast_in_dim3A_123 = vector.broadcast %reduce_min3A_106 : f32 to vector<16xf32>
      %broadcast_in_dim3A_124 = vector.broadcast %convert_element_type3A_119 : f32 to vector<16xf32>
      %select_n3A_125 = arith.select %eq3A_122, %broadcast_in_dim3A_123, %broadcast_in_dim3A_124 : vector<16xi1>, vector<16xf32>
      %swap3A = arith.constant 0 : index
      %swap3A_126 = tpu.vector_load %arg10[%swap3A] {strides = array<i32>} : memref<16xf32, #tpu.memory_space<vmem>>, vector<16xf32>,
      tpu.vector_store %arg10[%swap3A], %select_n3A_125 {strides = array<i32>} : memref<16xf32, #tpu.memory_space<vmem>>, vector<16xf32>,
      "tpu.region"() ({
        %run_scoped3A = tpu.sem_alloc : memref<!tpu.dma_semaphore, #tpu.memory_space<semaphore_mem>>
        %dma_start3A = arith.constant 0 : i32
        %dma_start3A_357 = tpu.memref_slice %arg12[%arg1, %dma_start3A] : memref<16x16xf32, #tpu.memory_space<vmem_shared>> -> memref<1x16xf32, #tpu.memory_space<vmem_shared>>
        %dma_start3A_358 = tpu.memref_squeeze %dma_start3A_357 : memref<1x16xf32, #tpu.memory_space<vmem_shared>> -> memref<16xf32, #tpu.memory_space<vmem_shared>>
        %dma_start3A_359 = arith.constant 0 : i32
        %dma_start3A_360 = tpu.memref_slice %arg12[%arg1, %dma_start3A_359] : memref<16x16xf32, #tpu.memory_space<vmem_shared>> -> memref<1x16xf32, #tpu.memory_space<vmem_shared>>
        %dma_start3A_361 = tpu.memref_squeeze %dma_start3A_360 : memref<1x16xf32, #tpu.memory_space<vmem_shared>> -> memref<16xf32, #tpu.memory_space<vmem_shared>>
        tpu.enqueue_dma source(%arg10 : memref<16xf32, #tpu.memory_space<vmem>>) target(%dma_start3A_361 : memref<16xf32, #tpu.memory_space<vmem_shared>>) target_semaphore(%run_scoped3A : memref<!tpu.dma_semaphore, #tpu.memory_space<semaphore_mem>>)
        %dma_wait3A = arith.constant 0 : i32
        %dma_wait3A_362 = tpu.memref_slice %arg12[%arg1, %dma_wait3A] : memref<16x16xf32, #tpu.memory_space<vmem_shared>> -> memref<1x16xf32, #tpu.memory_space<vmem_shared>>
        %dma_wait3A_363 = tpu.memref_squeeze %dma_wait3A_362 : memref<1x16xf32, #tpu.memory_space<vmem_shared>> -> memref<16xf32, #tpu.memory_space<vmem_shared>>
        %dma_wait3A_364 = arith.constant 0 : i32
        %dma_wait3A_365 = tpu.memref_slice %arg12[%arg1, %dma_wait3A_364] : memref<16x16xf32, #tpu.memory_space<vmem_shared>> -> memref<1x16xf32, #tpu.memory_space<vmem_shared>>
        %dma_wait3A_366 = tpu.memref_squeeze %dma_wait3A_365 : memref<1x16xf32, #tpu.memory_space<vmem_shared>> -> memref<16xf32, #tpu.memory_space<vmem_shared>>
        tpu.wait_dma2 semaphore(%run_scoped3A : memref<!tpu.dma_semaphore, #tpu.memory_space<semaphore_mem>>) src(%arg10 : memref<16xf32, #tpu.memory_space<vmem>>) dst(%dma_wait3A_366 : memref<16xf32, #tpu.memory_space<vmem_shared>>)
        tpu.yield
      }) : () -> ()
      %barrier3A_127 = arith.constant 0 : index
      tpu.barrier barrier_id(%barrier3A_127)
      "tpu.region"() ({
        %run_scoped3A = tpu.sem_alloc : memref<!tpu.dma_semaphore, #tpu.memory_space<semaphore_mem>>
        tpu.enqueue_dma source(%arg12 : memref<16x16xf32, #tpu.memory_space<vmem_shared>>) target(%arg9 : memref<16x16xf32, #tpu.memory_space<vmem>>) target_semaphore(%run_scoped3A : memref<!tpu.dma_semaphore, #tpu.memory_space<semaphore_mem>>)
        tpu.wait_dma2 semaphore(%run_scoped3A : memref<!tpu.dma_semaphore, #tpu.memory_space<semaphore_mem>>) src(%arg12 : memref<16x16xf32, #tpu.memory_space<vmem_shared>>) dst(%arg9 : memref<16x16xf32, #tpu.memory_space<vmem>>)
        tpu.yield
      }) : () -> ()
      %barrier3A_128 = arith.constant 0 : index
      tpu.barrier barrier_id(%barrier3A_128)
      %get3A_129 = arith.constant 0 : i32
      %get3A_130 = arith.index_cast %get3A_129 : i32 to index
      %get3A_131 = arith.constant 0 : index
      %get3A_132 = tpu.vector_load %arg9[%get3A_130, %get3A_131] {strides = array<i32>} : memref<16x16xf32, #tpu.memory_space<vmem>>, vector<16xf32>,
      %slice3A_133 = vector.extract_strided_slice %get3A_132 {offsets = [0], sizes = [1], strides = [1]} : vector<16xf32> to vector<1xf32>
      %squeeze3A_134 = vector.extract %slice3A_133[0] : f32 from vector<1xf32>
      %slice3A_135 = vector.extract_strided_slice %get3A_132 {offsets = [1], sizes = [1], strides = [1]} : vector<16xf32> to vector<1xf32>
      %squeeze3A_136 = vector.extract %slice3A_135[0] : f32 from vector<1xf32>
      %get3A_137 = arith.constant 1 : i32
      %get3A_138 = arith.index_cast %get3A_137 : i32 to index
      %get3A_139 = arith.constant 0 : index
      %get3A_140 = tpu.vector_load %arg9[%get3A_138, %get3A_139] {strides = array<i32>} : memref<16x16xf32, #tpu.memory_space<vmem>>, vector<16xf32>,
      %slice3A_141 = vector.extract_strided_slice %get3A_140 {offsets = [0], sizes = [1], strides = [1]} : vector<16xf32> to vector<1xf32>
      %squeeze3A_142 = vector.extract %slice3A_141[0] : f32 from vector<1xf32>
      %lt3A = arith.cmpf olt, %squeeze3A_142, %squeeze3A_134 : f32
      %select_n3A_143 = arith.select %lt3A, %squeeze3A_142, %squeeze3A_134 : f32
      %slice3A_144 = vector.extract_strided_slice %get3A_140 {offsets = [1], sizes = [1], strides = [1]} : vector<16xf32> to vector<1xf32>
      %squeeze3A_145 = vector.extract %slice3A_144[0] : f32 from vector<1xf32>
      %select_n3A_146 = arith.select %lt3A, %squeeze3A_145, %squeeze3A_136 : f32
      %get3A_147 = arith.constant 2 : i32
      %get3A_148 = arith.index_cast %get3A_147 : i32 to index
      %get3A_149 = arith.constant 0 : index
      %get3A_150 = tpu.vector_load %arg9[%get3A_148, %get3A_149] {strides = array<i32>} : memref<16x16xf32, #tpu.memory_space<vmem>>, vector<16xf32>,
      %slice3A_151 = vector.extract_strided_slice %get3A_150 {offsets = [0], sizes = [1], strides = [1]} : vector<16xf32> to vector<1xf32>
      %squeeze3A_152 = vector.extract %slice3A_151[0] : f32 from vector<1xf32>
      %lt3A_153 = arith.cmpf olt, %squeeze3A_152, %select_n3A_143 : f32
      %select_n3A_154 = arith.select %lt3A_153, %squeeze3A_152, %select_n3A_143 : f32
      %slice3A_155 = vector.extract_strided_slice %get3A_150 {offsets = [1], sizes = [1], strides = [1]} : vector<16xf32> to vector<1xf32>
      %squeeze3A_156 = vector.extract %slice3A_155[0] : f32 from vector<1xf32>
      %select_n3A_157 = arith.select %lt3A_153, %squeeze3A_156, %select_n3A_146 : f32
      %get3A_158 = arith.constant 3 : i32
      %get3A_159 = arith.index_cast %get3A_158 : i32 to index
      %get3A_160 = arith.constant 0 : index
      %get3A_161 = tpu.vector_load %arg9[%get3A_159, %get3A_160] {strides = array<i32>} : memref<16x16xf32, #tpu.memory_space<vmem>>, vector<16xf32>,
      %slice3A_162 = vector.extract_strided_slice %get3A_161 {offsets = [0], sizes = [1], strides = [1]} : vector<16xf32> to vector<1xf32>
      %squeeze3A_163 = vector.extract %slice3A_162[0] : f32 from vector<1xf32>
      %lt3A_164 = arith.cmpf olt, %squeeze3A_163, %select_n3A_154 : f32
      %select_n3A_165 = arith.select %lt3A_164, %squeeze3A_163, %select_n3A_154 : f32
      %slice3A_166 = vector.extract_strided_slice %get3A_161 {offsets = [1], sizes = [1], strides = [1]} : vector<16xf32> to vector<1xf32>
      %squeeze3A_167 = vector.extract %slice3A_166[0] : f32 from vector<1xf32>
      %select_n3A_168 = arith.select %lt3A_164, %squeeze3A_167, %select_n3A_157 : f32
      %get3A_169 = arith.constant 4 : i32
      %get3A_170 = arith.index_cast %get3A_169 : i32 to index
      %get3A_171 = arith.constant 0 : index
      %get3A_172 = tpu.vector_load %arg9[%get3A_170, %get3A_171] {strides = array<i32>} : memref<16x16xf32, #tpu.memory_space<vmem>>, vector<16xf32>,
      %slice3A_173 = vector.extract_strided_slice %get3A_172 {offsets = [0], sizes = [1], strides = [1]} : vector<16xf32> to vector<1xf32>
      %squeeze3A_174 = vector.extract %slice3A_173[0] : f32 from vector<1xf32>
      %lt3A_175 = arith.cmpf olt, %squeeze3A_174, %select_n3A_165 : f32
      %select_n3A_176 = arith.select %lt3A_175, %squeeze3A_174, %select_n3A_165 : f32
      %slice3A_177 = vector.extract_strided_slice %get3A_172 {offsets = [1], sizes = [1], strides = [1]} : vector<16xf32> to vector<1xf32>
      %squeeze3A_178 = vector.extract %slice3A_177[0] : f32 from vector<1xf32>
      %select_n3A_179 = arith.select %lt3A_175, %squeeze3A_178, %select_n3A_168 : f32
      %get3A_180 = arith.constant 5 : i32
      %get3A_181 = arith.index_cast %get3A_180 : i32 to index
      %get3A_182 = arith.constant 0 : index
      %get3A_183 = tpu.vector_load %arg9[%get3A_181, %get3A_182] {strides = array<i32>} : memref<16x16xf32, #tpu.memory_space<vmem>>, vector<16xf32>,
      %slice3A_184 = vector.extract_strided_slice %get3A_183 {offsets = [0], sizes = [1], strides = [1]} : vector<16xf32> to vector<1xf32>
      %squeeze3A_185 = vector.extract %slice3A_184[0] : f32 from vector<1xf32>
      %lt3A_186 = arith.cmpf olt, %squeeze3A_185, %select_n3A_176 : f32
      %select_n3A_187 = arith.select %lt3A_186, %squeeze3A_185, %select_n3A_176 : f32
      %slice3A_188 = vector.extract_strided_slice %get3A_183 {offsets = [1], sizes = [1], strides = [1]} : vector<16xf32> to vector<1xf32>
      %squeeze3A_189 = vector.extract %slice3A_188[0] : f32 from vector<1xf32>
      %select_n3A_190 = arith.select %lt3A_186, %squeeze3A_189, %select_n3A_179 : f32
      %get3A_191 = arith.constant 6 : i32
      %get3A_192 = arith.index_cast %get3A_191 : i32 to index
      %get3A_193 = arith.constant 0 : index
      %get3A_194 = tpu.vector_load %arg9[%get3A_192, %get3A_193] {strides = array<i32>} : memref<16x16xf32, #tpu.memory_space<vmem>>, vector<16xf32>,
      %slice3A_195 = vector.extract_strided_slice %get3A_194 {offsets = [0], sizes = [1], strides = [1]} : vector<16xf32> to vector<1xf32>
      %squeeze3A_196 = vector.extract %slice3A_195[0] : f32 from vector<1xf32>
      %lt3A_197 = arith.cmpf olt, %squeeze3A_196, %select_n3A_187 : f32
      %select_n3A_198 = arith.select %lt3A_197, %squeeze3A_196, %select_n3A_187 : f32
      %slice3A_199 = vector.extract_strided_slice %get3A_194 {offsets = [1], sizes = [1], strides = [1]} : vector<16xf32> to vector<1xf32>
      %squeeze3A_200 = vector.extract %slice3A_199[0] : f32 from vector<1xf32>
      %select_n3A_201 = arith.select %lt3A_197, %squeeze3A_200, %select_n3A_190 : f32
      %get3A_202 = arith.constant 7 : i32
      %get3A_203 = arith.index_cast %get3A_202 : i32 to index
      %get3A_204 = arith.constant 0 : index
      %get3A_205 = tpu.vector_load %arg9[%get3A_203, %get3A_204] {strides = array<i32>} : memref<16x16xf32, #tpu.memory_space<vmem>>, vector<16xf32>,
      %slice3A_206 = vector.extract_strided_slice %get3A_205 {offsets = [0], sizes = [1], strides = [1]} : vector<16xf32> to vector<1xf32>
      %squeeze3A_207 = vector.extract %slice3A_206[0] : f32 from vector<1xf32>
      %lt3A_208 = arith.cmpf olt, %squeeze3A_207, %select_n3A_198 : f32
      %select_n3A_209 = arith.select %lt3A_208, %squeeze3A_207, %select_n3A_198 : f32
      %slice3A_210 = vector.extract_strided_slice %get3A_205 {offsets = [1], sizes = [1], strides = [1]} : vector<16xf32> to vector<1xf32>
      %squeeze3A_211 = vector.extract %slice3A_210[0] : f32 from vector<1xf32>
      %select_n3A_212 = arith.select %lt3A_208, %squeeze3A_211, %select_n3A_201 : f32
      %get3A_213 = arith.constant 8 : i32
      %get3A_214 = arith.index_cast %get3A_213 : i32 to index
      %get3A_215 = arith.constant 0 : index
      %get3A_216 = tpu.vector_load %arg9[%get3A_214, %get3A_215] {strides = array<i32>} : memref<16x16xf32, #tpu.memory_space<vmem>>, vector<16xf32>,
      %slice3A_217 = vector.extract_strided_slice %get3A_216 {offsets = [0], sizes = [1], strides = [1]} : vector<16xf32> to vector<1xf32>
      %squeeze3A_218 = vector.extract %slice3A_217[0] : f32 from vector<1xf32>
      %lt3A_219 = arith.cmpf olt, %squeeze3A_218, %select_n3A_209 : f32
      %select_n3A_220 = arith.select %lt3A_219, %squeeze3A_218, %select_n3A_209 : f32
      %slice3A_221 = vector.extract_strided_slice %get3A_216 {offsets = [1], sizes = [1], strides = [1]} : vector<16xf32> to vector<1xf32>
      %squeeze3A_222 = vector.extract %slice3A_221[0] : f32 from vector<1xf32>
      %select_n3A_223 = arith.select %lt3A_219, %squeeze3A_222, %select_n3A_212 : f32
      %get3A_224 = arith.constant 9 : i32
      %get3A_225 = arith.index_cast %get3A_224 : i32 to index
      %get3A_226 = arith.constant 0 : index
      %get3A_227 = tpu.vector_load %arg9[%get3A_225, %get3A_226] {strides = array<i32>} : memref<16x16xf32, #tpu.memory_space<vmem>>, vector<16xf32>,
      %slice3A_228 = vector.extract_strided_slice %get3A_227 {offsets = [0], sizes = [1], strides = [1]} : vector<16xf32> to vector<1xf32>
      %squeeze3A_229 = vector.extract %slice3A_228[0] : f32 from vector<1xf32>
      %lt3A_230 = arith.cmpf olt, %squeeze3A_229, %select_n3A_220 : f32
      %select_n3A_231 = arith.select %lt3A_230, %squeeze3A_229, %select_n3A_220 : f32
      %slice3A_232 = vector.extract_strided_slice %get3A_227 {offsets = [1], sizes = [1], strides = [1]} : vector<16xf32> to vector<1xf32>
      %squeeze3A_233 = vector.extract %slice3A_232[0] : f32 from vector<1xf32>
      %select_n3A_234 = arith.select %lt3A_230, %squeeze3A_233, %select_n3A_223 : f32
      %get3A_235 = arith.constant 10 : i32
      %get3A_236 = arith.index_cast %get3A_235 : i32 to index
      %get3A_237 = arith.constant 0 : index
      %get3A_238 = tpu.vector_load %arg9[%get3A_236, %get3A_237] {strides = array<i32>} : memref<16x16xf32, #tpu.memory_space<vmem>>, vector<16xf32>,
      %slice3A_239 = vector.extract_strided_slice %get3A_238 {offsets = [0], sizes = [1], strides = [1]} : vector<16xf32> to vector<1xf32>
      %squeeze3A_240 = vector.extract %slice3A_239[0] : f32 from vector<1xf32>
      %lt3A_241 = arith.cmpf olt, %squeeze3A_240, %select_n3A_231 : f32
      %select_n3A_242 = arith.select %lt3A_241, %squeeze3A_240, %select_n3A_231 : f32
      %slice3A_243 = vector.extract_strided_slice %get3A_238 {offsets = [1], sizes = [1], strides = [1]} : vector<16xf32> to vector<1xf32>
      %squeeze3A_244 = vector.extract %slice3A_243[0] : f32 from vector<1xf32>
      %select_n3A_245 = arith.select %lt3A_241, %squeeze3A_244, %select_n3A_234 : f32
      %get3A_246 = arith.constant 11 : i32
      %get3A_247 = arith.index_cast %get3A_246 : i32 to index
      %get3A_248 = arith.constant 0 : index
      %get3A_249 = tpu.vector_load %arg9[%get3A_247, %get3A_248] {strides = array<i32>} : memref<16x16xf32, #tpu.memory_space<vmem>>, vector<16xf32>,
      %slice3A_250 = vector.extract_strided_slice %get3A_249 {offsets = [0], sizes = [1], strides = [1]} : vector<16xf32> to vector<1xf32>
      %squeeze3A_251 = vector.extract %slice3A_250[0] : f32 from vector<1xf32>
      %lt3A_252 = arith.cmpf olt, %squeeze3A_251, %select_n3A_242 : f32
      %select_n3A_253 = arith.select %lt3A_252, %squeeze3A_251, %select_n3A_242 : f32
      %slice3A_254 = vector.extract_strided_slice %get3A_249 {offsets = [1], sizes = [1], strides = [1]} : vector<16xf32> to vector<1xf32>
      %squeeze3A_255 = vector.extract %slice3A_254[0] : f32 from vector<1xf32>
      %select_n3A_256 = arith.select %lt3A_252, %squeeze3A_255, %select_n3A_245 : f32
      %get3A_257 = arith.constant 12 : i32
      %get3A_258 = arith.index_cast %get3A_257 : i32 to index
      %get3A_259 = arith.constant 0 : index
      %get3A_260 = tpu.vector_load %arg9[%get3A_258, %get3A_259] {strides = array<i32>} : memref<16x16xf32, #tpu.memory_space<vmem>>, vector<16xf32>,
      %slice3A_261 = vector.extract_strided_slice %get3A_260 {offsets = [0], sizes = [1], strides = [1]} : vector<16xf32> to vector<1xf32>
      %squeeze3A_262 = vector.extract %slice3A_261[0] : f32 from vector<1xf32>
      %lt3A_263 = arith.cmpf olt, %squeeze3A_262, %select_n3A_253 : f32
      %select_n3A_264 = arith.select %lt3A_263, %squeeze3A_262, %select_n3A_253 : f32
      %slice3A_265 = vector.extract_strided_slice %get3A_260 {offsets = [1], sizes = [1], strides = [1]} : vector<16xf32> to vector<1xf32>
      %squeeze3A_266 = vector.extract %slice3A_265[0] : f32 from vector<1xf32>
      %select_n3A_267 = arith.select %lt3A_263, %squeeze3A_266, %select_n3A_256 : f32
      %get3A_268 = arith.constant 13 : i32
      %get3A_269 = arith.index_cast %get3A_268 : i32 to index
      %get3A_270 = arith.constant 0 : index
      %get3A_271 = tpu.vector_load %arg9[%get3A_269, %get3A_270] {strides = array<i32>} : memref<16x16xf32, #tpu.memory_space<vmem>>, vector<16xf32>,
      %slice3A_272 = vector.extract_strided_slice %get3A_271 {offsets = [0], sizes = [1], strides = [1]} : vector<16xf32> to vector<1xf32>
      %squeeze3A_273 = vector.extract %slice3A_272[0] : f32 from vector<1xf32>
      %lt3A_274 = arith.cmpf olt, %squeeze3A_273, %select_n3A_264 : f32
      %select_n3A_275 = arith.select %lt3A_274, %squeeze3A_273, %select_n3A_264 : f32
      %slice3A_276 = vector.extract_strided_slice %get3A_271 {offsets = [1], sizes = [1], strides = [1]} : vector<16xf32> to vector<1xf32>
      %squeeze3A_277 = vector.extract %slice3A_276[0] : f32 from vector<1xf32>
      %select_n3A_278 = arith.select %lt3A_274, %squeeze3A_277, %select_n3A_267 : f32
      %get3A_279 = arith.constant 14 : i32
      %get3A_280 = arith.index_cast %get3A_279 : i32 to index
      %get3A_281 = arith.constant 0 : index
      %get3A_282 = tpu.vector_load %arg9[%get3A_280, %get3A_281] {strides = array<i32>} : memref<16x16xf32, #tpu.memory_space<vmem>>, vector<16xf32>,
      %slice3A_283 = vector.extract_strided_slice %get3A_282 {offsets = [0], sizes = [1], strides = [1]} : vector<16xf32> to vector<1xf32>
      %squeeze3A_284 = vector.extract %slice3A_283[0] : f32 from vector<1xf32>
      %lt3A_285 = arith.cmpf olt, %squeeze3A_284, %select_n3A_275 : f32
      %select_n3A_286 = arith.select %lt3A_285, %squeeze3A_284, %select_n3A_275 : f32
      %slice3A_287 = vector.extract_strided_slice %get3A_282 {offsets = [1], sizes = [1], strides = [1]} : vector<16xf32> to vector<1xf32>
      %squeeze3A_288 = vector.extract %slice3A_287[0] : f32 from vector<1xf32>
      %select_n3A_289 = arith.select %lt3A_285, %squeeze3A_288, %select_n3A_278 : f32
      %get3A_290 = arith.constant 15 : i32
      %get3A_291 = arith.index_cast %get3A_290 : i32 to index
      %get3A_292 = arith.constant 0 : index
      %get3A_293 = tpu.vector_load %arg9[%get3A_291, %get3A_292] {strides = array<i32>} : memref<16x16xf32, #tpu.memory_space<vmem>>, vector<16xf32>,
      %slice3A_294 = vector.extract_strided_slice %get3A_293 {offsets = [0], sizes = [1], strides = [1]} : vector<16xf32> to vector<1xf32>
      %squeeze3A_295 = vector.extract %slice3A_294[0] : f32 from vector<1xf32>
      %lt3A_296 = arith.cmpf olt, %squeeze3A_295, %select_n3A_286 : f32
      %select_n3A_297 = arith.select %lt3A_296, %squeeze3A_295, %select_n3A_286 : f32
      %slice3A_298 = vector.extract_strided_slice %get3A_293 {offsets = [1], sizes = [1], strides = [1]} : vector<16xf32> to vector<1xf32>
      %squeeze3A_299 = vector.extract %slice3A_298[0] : f32 from vector<1xf32>
      %select_n3A_300 = arith.select %lt3A_296, %squeeze3A_299, %select_n3A_289 : f32
      %convert_element_type3A_301 = arith.fptosi %select_n3A_300 : f32 to i32
      "tpu.region"() ({
        %run_scoped3A = tpu.sem_alloc : memref<!tpu.dma_semaphore, #tpu.memory_space<semaphore_mem>>
        %dma_start3A = arith.constant 0 : i32
        %dma_start3A_357 = tpu.memref_slice %arg13[%convert_element_type3A_301, %dma_start3A] : memref<8192x16xf32, #tpu.memory_space<vmem_shared>> -> memref<1x16xf32, #tpu.memory_space<vmem_shared>>
        %dma_start3A_358 = tpu.memref_squeeze %dma_start3A_357 : memref<1x16xf32, #tpu.memory_space<vmem_shared>> -> memref<16xf32, #tpu.memory_space<vmem_shared>>
        %dma_start3A_359 = arith.constant 0 : i32
        %dma_start3A_360 = tpu.memref_slice %arg13[%convert_element_type3A_301, %dma_start3A_359] : memref<8192x16xf32, #tpu.memory_space<vmem_shared>> -> memref<1x16xf32, #tpu.memory_space<vmem_shared>>
        %dma_start3A_361 = tpu.memref_squeeze %dma_start3A_360 : memref<1x16xf32, #tpu.memory_space<vmem_shared>> -> memref<16xf32, #tpu.memory_space<vmem_shared>>
        tpu.enqueue_dma source(%dma_start3A_361 : memref<16xf32, #tpu.memory_space<vmem_shared>>) target(%arg11 : memref<16xf32, #tpu.memory_space<vmem>>) target_semaphore(%run_scoped3A : memref<!tpu.dma_semaphore, #tpu.memory_space<semaphore_mem>>)
        %dma_wait3A = arith.constant 0 : i32
        %dma_wait3A_362 = tpu.memref_slice %arg13[%convert_element_type3A_301, %dma_wait3A] : memref<8192x16xf32, #tpu.memory_space<vmem_shared>> -> memref<1x16xf32, #tpu.memory_space<vmem_shared>>
        %dma_wait3A_363 = tpu.memref_squeeze %dma_wait3A_362 : memref<1x16xf32, #tpu.memory_space<vmem_shared>> -> memref<16xf32, #tpu.memory_space<vmem_shared>>
        %dma_wait3A_364 = arith.constant 0 : i32
        %dma_wait3A_365 = tpu.memref_slice %arg13[%convert_element_type3A_301, %dma_wait3A_364] : memref<8192x16xf32, #tpu.memory_space<vmem_shared>> -> memref<1x16xf32, #tpu.memory_space<vmem_shared>>
        %dma_wait3A_366 = tpu.memref_squeeze %dma_wait3A_365 : memref<1x16xf32, #tpu.memory_space<vmem_shared>> -> memref<16xf32, #tpu.memory_space<vmem_shared>>
        tpu.wait_dma2 semaphore(%run_scoped3A : memref<!tpu.dma_semaphore, #tpu.memory_space<semaphore_mem>>) src(%dma_wait3A_366 : memref<16xf32, #tpu.memory_space<vmem_shared>>) dst(%arg11 : memref<16xf32, #tpu.memory_space<vmem>>)
        tpu.yield
      }) : () -> ()
      %get3A_302 = arith.constant 0 : index
      %get3A_303 = tpu.vector_load %arg11[%get3A_302] {strides = array<i32>} : memref<16xf32, #tpu.memory_space<vmem>>, vector<16xf32>,
      %slice3A_304 = vector.extract_strided_slice %get3A_303 {offsets = [0], sizes = [1], strides = [1]} : vector<16xf32> to vector<1xf32>
      %squeeze3A_305 = vector.extract %slice3A_304[0] : f32 from vector<1xf32>
      %slice3A_306 = vector.extract_strided_slice %get3A_303 {offsets = [1], sizes = [1], strides = [1]} : vector<16xf32> to vector<1xf32>
      %squeeze3A_307 = vector.extract %slice3A_306[0] : f32 from vector<1xf32>
      %slice3A_308 = vector.extract_strided_slice %get3A_303 {offsets = [2], sizes = [1], strides = [1]} : vector<16xf32> to vector<1xf32>
      %squeeze3A_309 = vector.extract %slice3A_308[0] : f32 from vector<1xf32>
      %slice3A_310 = vector.extract_strided_slice %get3A_303 {offsets = [3], sizes = [1], strides = [1]} : vector<16xf32> to vector<1xf32>
      %squeeze3A_311 = vector.extract %slice3A_310[0] : f32 from vector<1xf32>
      %slice3A_312 = vector.extract_strided_slice %get3A_303 {offsets = [4], sizes = [1], strides = [1]} : vector<16xf32> to vector<1xf32>
      %squeeze3A_313 = vector.extract %slice3A_312[0] : f32 from vector<1xf32>
      %mul3A_314 = arith.mulf %scan3A_18, %squeeze3A_305 : f32
      %add3A_315 = arith.addf %scan3A_16, %mul3A_314 : f32
      %mul3A_316 = arith.mulf %scan3A_19, %squeeze3A_307 : f32
      %sub3A_317 = arith.subf %add3A_315, %mul3A_316 : f32
      %mul3A_318 = arith.mulf %scan3A_19, %squeeze3A_305 : f32
      %add3A_319 = arith.addf %scan3A_17, %mul3A_318 : f32
      %mul3A_320 = arith.mulf %scan3A_18, %squeeze3A_307 : f32
      %add3A_321 = arith.addf %add3A_319, %mul3A_320 : f32
      %mul3A_322 = arith.mulf %scan3A_18, %squeeze3A_311 : f32
      %mul3A_323 = arith.mulf %scan3A_19, %squeeze3A_313 : f32
      %sub3A_324 = arith.subf %mul3A_322, %mul3A_323 : f32
      %mul3A_325 = arith.mulf %scan3A_19, %squeeze3A_311 : f32
      %mul3A_326 = arith.mulf %scan3A_18, %squeeze3A_313 : f32
      %add3A_327 = arith.addf %mul3A_325, %mul3A_326 : f32
      %add3A_328 = arith.addf %scan3A_20, %squeeze3A_309 : f32
      %gt3A = arith.constant 3.14159274 : f32
      %gt3A_329 = arith.cmpf ogt, %add3A_328, %gt3A : f32
      %sub3A_330 = arith.constant 6.28318548 : f32
      %sub3A_331 = arith.subf %add3A_328, %sub3A_330 : f32
      %select_n3A_332 = arith.select %gt3A_329, %sub3A_331, %add3A_328 : f32
      %neg3A = arith.constant 0.000000e+00 : f32
      %neg3A_333 = arith.constant 3.14159274 : f32
      %neg3A_334 = arith.subf %neg3A, %neg3A_333 : f32
      %le3A = arith.cmpf ole, %select_n3A_332, %neg3A_334 : f32
      %add3A_335 = arith.constant 6.28318548 : f32
      %add3A_336 = arith.addf %select_n3A_332, %add3A_335 : f32
      %select_n3A_337 = arith.select %le3A, %add3A_336, %select_n3A_332 : f32
      %eq3A_338 = arith.constant 0 : i32
      %eq3A_339 = vector.broadcast %eq3A_338 : i32 to vector<16xi32>
      %eq3A_340 = arith.cmpi eq, %iota3A, %eq3A_339 : vector<16xi32>
      %broadcast_in_dim3A_341 = vector.broadcast %sub3A_317 : f32 to vector<16xf32>
      %eq3A_342 = arith.constant 1 : i32
      %eq3A_343 = vector.broadcast %eq3A_342 : i32 to vector<16xi32>
      %eq3A_344 = arith.cmpi eq, %iota3A, %eq3A_343 : vector<16xi32>
      %broadcast_in_dim3A_345 = vector.broadcast %add3A_321 : f32 to vector<16xf32>
      %eq3A_346 = arith.constant 2 : i32
      %eq3A_347 = vector.broadcast %eq3A_346 : i32 to vector<16xi32>
      %eq3A_348 = arith.cmpi eq, %iota3A, %eq3A_347 : vector<16xi32>
      %broadcast_in_dim3A_349 = vector.broadcast %select_n3A_337 : f32 to vector<16xf32>
      %broadcast_in_dim3A_350 = vector.broadcast %select_n3A_300 : f32 to vector<16xf32>
      %select_n3A_351 = arith.select %eq3A_348, %broadcast_in_dim3A_349, %broadcast_in_dim3A_350 : vector<16xi1>, vector<16xf32>
      %select_n3A_352 = arith.select %eq3A_344, %broadcast_in_dim3A_345, %select_n3A_351 : vector<16xi1>, vector<16xf32>
      %select_n3A_353 = arith.select %eq3A_340, %broadcast_in_dim3A_341, %select_n3A_352 : vector<16xi1>, vector<16xf32>
      %swap3A_354 = arith.index_cast %scan3A_15 : i32 to index
      %swap3A_355 = arith.constant 0 : index
      %swap3A_356 = tpu.vector_load %arg8[%swap3A_354, %swap3A_355] {strides = array<i32>} : memref<18x16xf32, #tpu.memory_space<vmem>>, vector<16xf32>,
      tpu.vector_store %arg8[%swap3A_354, %swap3A_355], %select_n3A_353 {strides = array<i32>} : memref<18x16xf32, #tpu.memory_space<vmem>>, vector<16xf32>,
      scf.yield %sub3A_317, %add3A_321, %sub3A_324, %add3A_327, %select_n3A_337 : f32, f32, f32, f32, f32
    }
    %scan3A_10 = arith.constant 18 : i32
    %eq3A = arith.constant 0 : i32
    %eq3A_11 = arith.cmpi eq, %arg0, %eq3A : i32
    %eq3A_12 = arith.constant 0 : i32
    %eq3A_13 = arith.cmpi eq, %arg1, %eq3A_12 : i32
    %and3A = arith.andi %eq3A_11, %eq3A_13 : i1
    %convert_element_type3A = arith.extui %and3A : i1 to i32
    %cond3A = arith.constant 0 : i32
    %cond3A_14 = arith.cmpi ne, %convert_element_type3A, %cond3A : i32
    scf.if %cond3A_14 {
      "tpu.region"() ({
        %run_scoped3A = tpu.sem_alloc : memref<!tpu.dma_semaphore, #tpu.memory_space<semaphore_mem>>
        tpu.enqueue_dma source(%arg8 : memref<18x16xf32, #tpu.memory_space<vmem>>) target(%arg5 : memref<18x16xf32, #tpu.memory_space<hbm>>) target_semaphore(%run_scoped3A : memref<!tpu.dma_semaphore, #tpu.memory_space<semaphore_mem>>)
        tpu.wait_dma2 semaphore(%run_scoped3A : memref<!tpu.dma_semaphore, #tpu.memory_space<semaphore_mem>>) src(%arg8 : memref<18x16xf32, #tpu.memory_space<vmem>>) dst(%arg5 : memref<18x16xf32, #tpu.memory_space<hbm>>)
        tpu.yield
      }) : () -> ()
    } else {
    }
    return
  }
}

module attributes {stable_mosaic.version = 14 : i64} {
  func.func @_prep_body(%arg0: memref<8x64x128xf32, #tpu.memory_space<vmem>>, %arg1: memref<8x64x128xf32, #tpu.memory_space<vmem>>) attributes {dimension_semantics = [], scalar_prefetch = 0 : i64, scratch_operands = 0 : i64, tpu.core_type = #tpu.core_type<tc>} {
    %get3A = arith.constant 0 : index
    %get3A_0 = arith.constant 0 : index
    %get3A_1 = arith.constant 0 : index
    %get3A_2 = vector.load %arg0[%get3A, %get3A_0, %get3A_1] : memref<8x64x128xf32, #tpu.memory_space<vmem>>, vector<8x64x128xf32>
    %slice3A = vector.extract_strided_slice %get3A_2 {offsets = [0, 0, 0], sizes = [1, 64, 128], strides = [1, 1, 1]} : vector<8x64x128xf32> to vector<1x64x128xf32>
    %squeeze3A = vector.shape_cast %slice3A : vector<1x64x128xf32> to vector<64x128xf32>
    %slice3A_3 = vector.extract_strided_slice %get3A_2 {offsets = [1, 0, 0], sizes = [1, 64, 128], strides = [1, 1, 1]} : vector<8x64x128xf32> to vector<1x64x128xf32>
    %squeeze3A_4 = vector.shape_cast %slice3A_3 : vector<1x64x128xf32> to vector<64x128xf32>
    %slice3A_5 = vector.extract_strided_slice %get3A_2 {offsets = [2, 0, 0], sizes = [1, 64, 128], strides = [1, 1, 1]} : vector<8x64x128xf32> to vector<1x64x128xf32>
    %squeeze3A_6 = vector.shape_cast %slice3A_5 : vector<1x64x128xf32> to vector<64x128xf32>
    %slice3A_7 = vector.extract_strided_slice %get3A_2 {offsets = [3, 0, 0], sizes = [1, 64, 128], strides = [1, 1, 1]} : vector<8x64x128xf32> to vector<1x64x128xf32>
    %squeeze3A_8 = vector.shape_cast %slice3A_7 : vector<1x64x128xf32> to vector<64x128xf32>
    %slice3A_9 = vector.extract_strided_slice %get3A_2 {offsets = [4, 0, 0], sizes = [1, 64, 128], strides = [1, 1, 1]} : vector<8x64x128xf32> to vector<1x64x128xf32>
    %squeeze3A_10 = vector.shape_cast %slice3A_9 : vector<1x64x128xf32> to vector<64x128xf32>
    %slice3A_11 = vector.extract_strided_slice %get3A_2 {offsets = [5, 0, 0], sizes = [1, 64, 128], strides = [1, 1, 1]} : vector<8x64x128xf32> to vector<1x64x128xf32>
    %squeeze3A_12 = vector.shape_cast %slice3A_11 : vector<1x64x128xf32> to vector<64x128xf32>
    %slice3A_13 = vector.extract_strided_slice %get3A_2 {offsets = [6, 0, 0], sizes = [1, 64, 128], strides = [1, 1, 1]} : vector<8x64x128xf32> to vector<1x64x128xf32>
    %squeeze3A_14 = vector.shape_cast %slice3A_13 : vector<1x64x128xf32> to vector<64x128xf32>
    %slice3A_15 = vector.extract_strided_slice %get3A_2 {offsets = [7, 0, 0], sizes = [1, 64, 128], strides = [1, 1, 1]} : vector<8x64x128xf32> to vector<1x64x128xf32>
    %squeeze3A_16 = vector.shape_cast %slice3A_15 : vector<1x64x128xf32> to vector<64x128xf32>
    %add3A = arith.addf %squeeze3A, %squeeze3A_6 : vector<64x128xf32>
    %add3A_17 = arith.addf %add3A, %squeeze3A_10 : vector<64x128xf32>
    %add3A_18 = arith.addf %add3A_17, %squeeze3A_14 : vector<64x128xf32>
    %mul3A = arith.constant 2.500000e-01 : f32
    %mul3A_19 = vector.broadcast %mul3A : f32 to vector<64x128xf32>
    %mul3A_20 = arith.mulf %add3A_18, %mul3A_19 : vector<64x128xf32>
    %add3A_21 = arith.addf %squeeze3A_4, %squeeze3A_8 : vector<64x128xf32>
    %add3A_22 = arith.addf %add3A_21, %squeeze3A_12 : vector<64x128xf32>
    %add3A_23 = arith.addf %add3A_22, %squeeze3A_16 : vector<64x128xf32>
    %mul3A_24 = arith.constant 2.500000e-01 : f32
    %mul3A_25 = vector.broadcast %mul3A_24 : f32 to vector<64x128xf32>
    %mul3A_26 = arith.mulf %add3A_23, %mul3A_25 : vector<64x128xf32>
    %sub3A = arith.subf %squeeze3A, %squeeze3A_14 : vector<64x128xf32>
    %sub3A_27 = arith.subf %squeeze3A_4, %squeeze3A_16 : vector<64x128xf32>
    %atan23A = math.atan2 %sub3A_27, %sub3A : vector<64x128xf32>
    %cos3A = math.cos %atan23A : vector<64x128xf32>
    %sin3A = math.sin %atan23A : vector<64x128xf32>
    %broadcast_in_dim3A = arith.constant 0.000000e+00 : f32
    %broadcast_in_dim3A_28 = vector.broadcast %broadcast_in_dim3A : f32 to vector<64x128xf32>
    %stack3A = vector.shape_cast %mul3A_20 : vector<64x128xf32> to vector<1x64x128xf32>
    %stack3A_29 = vector.shape_cast %mul3A_26 : vector<64x128xf32> to vector<1x64x128xf32>
    %stack3A_30 = vector.shape_cast %atan23A : vector<64x128xf32> to vector<1x64x128xf32>
    %stack3A_31 = vector.shape_cast %cos3A : vector<64x128xf32> to vector<1x64x128xf32>
    %stack3A_32 = vector.shape_cast %sin3A : vector<64x128xf32> to vector<1x64x128xf32>
    %stack3A_33 = vector.shape_cast %broadcast_in_dim3A_28 : vector<64x128xf32> to vector<1x64x128xf32>
    %stack3A_34 = vector.shape_cast %broadcast_in_dim3A_28 : vector<64x128xf32> to vector<1x64x128xf32>
    %stack3A_35 = vector.shape_cast %broadcast_in_dim3A_28 : vector<64x128xf32> to vector<1x64x128xf32>
    %stack3A_36 = tpu.concatenate %stack3A, %stack3A_29, %stack3A_30, %stack3A_31, %stack3A_32, %stack3A_33, %stack3A_34, %stack3A_35 in 0 : vector<1x64x128xf32>, vector<1x64x128xf32>, vector<1x64x128xf32>, vector<1x64x128xf32>, vector<1x64x128xf32>, vector<1x64x128xf32>, vector<1x64x128xf32>, vector<1x64x128xf32> -> vector<8x64x128xf32>
    %swap3A = arith.constant 0 : index
    %swap3A_37 = arith.constant 0 : index
    %swap3A_38 = arith.constant 0 : index
    %swap3A_39 = vector.load %arg1[%swap3A, %swap3A_37, %swap3A_38] : memref<8x64x128xf32, #tpu.memory_space<vmem>>, vector<8x64x128xf32>
    tpu.vector_store %arg1[%swap3A, %swap3A_37, %swap3A_38], %stack3A_36 {strides = array<i32>} : memref<8x64x128xf32, #tpu.memory_space<vmem>>, vector<8x64x128xf32>,
    return
  }
}

</mosaic_0001>

<sc_bundles>
// kernel: kernel.4.cloned.1.call-start
scs
__scs_entry_jumppad:
0x0: {  	(pc) =	sbr.rel $0x88, $3  }
0x1: {  	(tag) =	ssettag $0x0;
	lr =	simm.s32 $0x1  }
0x2: {  	[smem:$0x3F9F] =	sst lr;
	_ =	strace $0xD0000000  }
0x3: {  	_ = 	snop  }
0x4: {  	_ = 	snop  }
0x5: {  	_ = 	snop  }
0x6: {  	_ = 	snop  }
0x7: {  	_ = 	snop  }
__scs_overlays_trampoline_lowered:
0x8: {  	[smem:$0x3FAE] =	sst s0  }
0x9: {  	[smem:$0x3FAF] =	sst s1  }
0xa: {  	[smem:$0x3FB0] =	sst s2  }
0xb: {  	[smem:$0x3FB1] =	sst s3  }
0xc: {  	[smem:$0x3FB2] =	sst s4  }
0xd: {  	[smem:$0x3FB3] =	sst s5  }
0xe: {  	[smem:$0x3FB4] =	sst s6  }
0xf: {  	[smem:$0x3FB5] =	sst s7  }
0x10: {  	[smem:$0x3FB6] =	sst s8  }
0x11: {  	[smem:$0x3FB7] =	sst s9;
	s0 =	simm.s32 @!p0 $0x0  }
0x12: {  	s1 =	sld [smem:$0x3F9D];
	s0 =	simm.s32 @p0 $0x1  }
0x13: {  	[smem:$0x3FB8] =	sst s0;
	s0 =	simm.s32 @!p1 $0x0  }
0x14: {  	s2 =	sld [smem:$0x3F9C];
	s0 =	simm.s32 @p1 $0x1  }
0x15: {  	[smem:$0x3FB9] =	sst s0;
	s0 =	simm.s32 @!p2 $0x0  }
0x16: {  	s3 =	sld [smem:$0x3FDB];
	s0 =	simm.s32 @p2 $0x1  }
0x17: {  	s4 =	simm.s32 $0x1BF5;
	[smem:$0x3FBB] =	sst s0  }
0x18: {  	s0 =	sld [smem:$0x3F9E];
	_ =	swait.ge [sflag:s4], $0x0  }
0x19: {  	s7 =	sld [smem:$0x3F9F]  }
0x1a: {  	s8 =	sadd.s32 $0xFFFFE003, lr  }
0x1b: {  	s9 =	sadd.s32 $0xFFFFFEF7, lr;
	s5 =	simm.s32 $0xFFFFFFFF;
	p2 =	slt.u32 s8, $0xFFFFF086  }
0x1c: {  	p1 =	slt.u32 s9, $0xF7A;
	s5 =	simm.s32 @!p2 $0x0  }
0x1d: {  	s5 =	simm.s32 @p1 $0x1;
	p0 =	seq.s32 s7, s2  }
0x1e: {  	s7 =	smul.u32 @!p0 $0xF7A, s2;
	p2 =	seq.s32 @!p0 s5, $0x0  }
0x1f: {  	s9 =	smul.u32 $0xF7A, s1;
	s8 =	simm.s32 @!p0 $0x1BF5;
	p2 =	por !p2, p0  }
0x20: {  	[sflag:s8] =	ssyncset.s32 @!p0 $0xFFFFF086;
	s6 =	sadd.s32 @!p0 s3, s7;
	s7 =	simm.s32 @!p0 $0x108  }
0x21: {  	s3 =	sadd.s32 s3, s9;
	s6 =	sadd.s32 @!p0 $0x88, s6;
	s7 =	simm.s32 @p2 $0x1082  }
0x22: {  	[simem:s7], [sflag:s8] =	dma.local @!p0 [hbm:s6], $0xF7A  }
0x23: {  	s9 =	sor.u32 $0xD0000000, s2;
	s6 =	simm.s32 $0x108;
	_ =	swait.ge @!p0 [sflag:s8], $0x0  }
0x24: {  	s3 =	sadd.s32 $0x88, s3;
	s6 =	simm.s32 @!p1 $0x1082;
	[sflag:s4] =	ssyncset.s32 $0xFFFFF086  }
0x25: {  	[simem:s6], [sflag:s4] =	dma.local [hbm:s3], $0xF7A  }
0x26: {  	[smem:$0x3F9F] =	sst s1;
	(tag) =	ssettag s2;
	_ =	strace s9  }
0x27: {  	s1 =	sld [smem:$0x3FAF]  }
0x28: {  	s2 =	sld [smem:$0x3FB0]  }
0x29: {  	s4 =	sld [smem:$0x3FB2]  }
0x2a: {  	p0 =	seq.s32 s5, $0x0;
	s5 =	sld [smem:$0x3FB3]  }
0x2b: {  	s6 =	sld [smem:$0x3FB4]  }
0x2c: {  	s7 =	sld [smem:$0x3FB5]  }
0x2d: {  	s3 =	simm.s32 $0x108;
	s8 =	sld [smem:$0x3FB6]  }
0x2e: {  	s3 =	simm.s32 @!p0 $0x1082;
	s9 =	sld [smem:$0x3FB7]  }
0x2f: {  	lr =	sadd.s32 s0, s3;
	s0 =	sld [smem:$0x3FAE]  }
0x30: {  	s3 =	sld [smem:$0x3FB1]  }
0x31: {  	[smem:$0x3FBA] =	sst s10  }
0x32: {  	s10 =	sld [smem:$0x3FB8];
	_ =	sdelay $0x3  }
0x33: {  	p0 =	seq.s32 s10, $0x1;
	s10 =	sld [smem:$0x3FBA];
	_ =	sdelay $0x3  }
0x34: {  	[smem:$0x3FBA] =	sst s10  }
0x35: {  	s10 =	sld [smem:$0x3FB9];
	_ =	sdelay $0x3  }
0x36: {  	p1 =	seq.s32 s10, $0x1;
	s10 =	sld [smem:$0x3FBA];
	_ =	sdelay $0x3  }
0x37: {  	[smem:$0x3FBA] =	sst s10  }
0x38: {  	s10 =	sld [smem:$0x3FBB]  }
0x39: {  	_ = 	snop;
	(pc) =	sbr.ind lr, $3  }
0x3a: {  	_ = 	snop  }
0x3b: {  	_ = 	snop  }
0x3c: {  	p2 =	seq.s32 s10, $0x1;
	s10 =	sld [smem:$0x3FBA]  }
0x3d: {  	_ =	shalt  }
0x3e: {  	_ =	shalt  }
0x3f: {  	_ =	shalt  }
0x40: {  	_ =	shalt  }
0x41: {  	_ =	shalt  }
0x42: {  	_ =	shalt  }
0x43: {  	_ =	shalt  }
0x44: {  	_ =	shalt  }
0x45: {  	_ =	shalt  }
0x46: {  	_ =	shalt  }
0x47: {  	_ =	shalt  }
0x48: {  	_ =	shalt  }
0x49: {  	_ =	shalt  }
0x4a: {  	_ =	shalt  }
0x4b: {  	_ =	shalt  }
0x4c: {  	_ =	shalt  }
0x4d: {  	_ =	shalt  }
0x4e: {  	_ =	shalt  }
0x4f: {  	_ =	shalt  }
0x50: {  	_ =	shalt  }
0x51: {  	_ =	shalt  }
0x52: {  	_ =	shalt  }
0x53: {  	_ =	shalt  }
0x54: {  	_ =	shalt  }
0x55: {  	_ =	shalt  }
0x56: {  	_ =	shalt  }
0x57: {  	_ =	shalt  }
0x58: {  	_ =	shalt  }
0x59: {  	_ =	shalt  }
0x5a: {  	_ =	shalt  }
0x5b: {  	_ =	shalt  }
0x5c: {  	_ =	shalt  }
0x5d: {  	_ =	shalt  }
0x5e: {  	_ =	shalt  }
0x5f: {  	_ =	shalt  }
0x60: {  	_ =	shalt  }
0x61: {  	_ =	shalt  }
0x62: {  	_ =	shalt  }
0x63: {  	_ =	shalt  }
0x64: {  	_ =	shalt  }
0x65: {  	_ =	shalt  }
0x66: {  	_ =	shalt  }
0x67: {  	_ =	shalt  }
0x68: {  	_ =	shalt  }
0x69: {  	_ =	shalt  }
0x6a: {  	_ =	shalt  }
0x6b: {  	_ =	shalt  }
0x6c: {  	_ =	shalt  }
0x6d: {  	_ =	shalt  }
0x6e: {  	_ =	shalt  }
0x6f: {  	_ =	shalt  }
0x70: {  	_ =	shalt  }
0x71: {  	_ =	shalt  }
0x72: {  	_ =	shalt  }
0x73: {  	_ =	shalt  }
0x74: {  	_ =	shalt  }
0x75: {  	_ =	shalt  }
0x76: {  	_ =	shalt  }
0x77: {  	_ =	shalt  }
0x78: {  	_ =	shalt  }
0x79: {  	_ =	shalt  }
0x7a: {  	_ =	shalt  }
0x7b: {  	_ =	shalt  }
0x7c: {  	_ =	shalt  }
0x7d: {  	_ =	shalt  }
0x7e: {  	_ =	shalt  }
0x7f: {  	_ =	shalt  }
0x80: {  	_ =	shalt  }
0x81: {  	_ =	shalt  }
0x82: {  	_ =	shalt  }
0x83: {  	_ =	shalt  }
0x84: {  	_ =	shalt  }
0x85: {  	_ =	shalt  }
0x86: {  	_ =	shalt  }
0x87: {  	_ =	shalt  }
.Lfunc_end0:
.L_simem_size_0:
called_computation_lowered:
.L_overlay_start_0:
0x88: {  	s0 =	sld [smem:$0x3FD9]  }
0x89: {  	s1 =	sld [smem:$0x3FFE];
	_ =	sdelay $0x3  }
0x8a: {  	s0 =	sadd.s32 s1, s0  }
0x8b: {  	[smem:$0x3FC6] =	sst s0  }
0x8c: {  	_ = 	snop  }
0x8d: {  	(tm) =	ssettm $0x1  }
0x8e: {  	s15 =	sld [smem:$0x3FFB];
	_ =	sdelay $0x3  }
0x8f: {  	_ =	strace s15  }
0x90: {  	s0 =	sld [smem:$0x3FFC];
	_ =	sdelay $0x3  }
0x91: {  	_ =	strace s0  }
0x92: {  	s0 =	sld [smem:$0x3FFD];
	_ =	sdelay $0x3  }
0x93: {  	_ =	strace s0  }
0x94: {  	_ =	strace $0x8FFFFFFF  }
0x95: {  	s16 =	sld [smem:$0x3FDB];
	_ =	sdelay $0x1  }
0x96: {  	s17 =	simm.s32 $_scs_section_size  }
0x97: {  	s2 =	simm.s32 $_size__tile_overlayer_lowered;
	s3 =	simm.s32 $_tile_overlayer_lowered  }
0x98: {  	s20 =	simm.s32 $0x1BFF;
	s19 =	sshll.u32 s3, $0x1;
	s0 =	sadd.s32 s17, s16  }
0x99: {  	s4 =	simm.s32 $0x0;
	s18 =	sshll.u32 s2, $0x1;
	s2 =	sadd.s32 s19, s0  }
0x9a: {  	[timem:s4], [sflag:s20] =	dma.local [hbm:s2], s18  }
0x9b: {  	_ =	swait.ge [sflag:s20], s18  }
0x9c: {  	s1 =	ssub.s32 $0x0, s18;
	[sflag:s20] =	ssyncset.done $0x0  }
0x9d: {  	[sflag:s20] =	ssyncadd.s32 s1;
	_ =	sdelay $0x1  }
0x9e: {  	s21 =	simm.s32 $0x1B8B  }
0x9f: {  	_ =	swait.ge [sflag:s21], $0x1  }
0xa0: {  	[sflag:s21] =	ssyncset.done $0x0  }
0xa1: {  	s23 =	simm.s32 $0x1B8E;
	s22 =	sld [smem:$0x3FFE];
	[sflag:s21] =	ssyncadd.s32 $0xFFFFFFFF  }
0xa2: {  	s24 =	simm.s32 $execute0_lowered;
	[smem:$0x3FD2] =	sst s23  }
0xa3: {  	s2 =	sshll.u32 s24, $0x1;
	_ =	strace $0x80000046;
	[dreg:$0x1] =	wrdreg $0xFFFFFFFF  }
0xa4: {  	s25 =	simm.s32 $_size_execute0_lowered;
	s0 =	sadd.s32 s0, s2;
	[dreg:$0x0] =	wrdreg $0x0  }
0xa5: {  	s2 =	sshll.u32 s25, $0x1;
	[dreg:$0x2] =	wrdreg s0  }
0xa6: {  	[dreg:$0x3] =	wrdreg s2  }
0xa7: {  	[dreg:$0x4] =	wrdreg $0xC0  }
0xa8: {  	_ =	task [dreg:s4], $0x5FFFF  }
0xa9: {  	[dreg:$0x1] =	wrdreg $0xFFFFFFFF  }
0xaa: {  	[dreg:$0x0] =	wrdreg $0x60  }
0xab: {  	[dreg:$0x2] =	wrdreg s22  }
0xac: {  	[dreg:$0x3] =	wrdreg $0x31000  }
0xad: {  	[dreg:$0x4] =	wrdreg $0x31100  }
0xae: {  	[dreg:$0x5] =	wrdreg $0x9  }
0xaf: {  	_ =	task.clear_ibuf [dreg:s4], $0x6FFFF;
	_ =	strace $0x90000046  }
0xb0: {  	s26 =	simm.s32 $0x9;
	_ =	strace $0x80000048  }
0xb1: {  	_ =	swait.ge [sflag:s26], $0x1  }
0xb2: {  	[sflag:s26] =	ssyncadd.s32 $0xFFFFFFFF  }
0xb3: {  	_ =	strace $0x90000048  }
0xb4: {  	_ =	sfence  }
0xb5: {  	s28 =	sld [smem:$0x0];
	_ =	sdelay $0x1  }
0xb6: {  	s29 =	srdreg.scid  }
0xb7: {  	s30 =	sshll.u32 s29, $0xD;
	s31 =	sshrl.u32 s29, $0x2  }
0xb8: {  	s1 =	sand.u32 $0x1, s29;
	s2 =	sand.u32 $0x4000, s30;
	s0 =	sadd.s32 s31, s28  }
0xb9: {  	s1 =	sor.u32 s2, s1;
	s0 =	sshll.u32 s0, $0x11  }
0xba: {  	s0 =	sor.u32 s0, s1  }
0xbb: {  	s0 =	sadd.s32 $0x8F2B, s0  }
0xbc: {  	[sflag:s0] =	ssyncadd.remote.s32 $0x1  }
0xbd: {  	_ =	sfence.sel $0xFFFF  }
0xbe: {  	[dreg:$0x0] =	wrdreg $0xFFFFFFFF;
	(pc) =	sbr.abs _section_cstart, $3  }
0xbf: {  	[dreg:$0x1] =	wrdreg $0xFFFFFFFF  }
0xc0: {  	_ =	task.clear_ibuf [dreg:s4], $0x2FFFF;
	_ =	strace $0x9FFFFFFF  }
0xc1: {  	(tm) =	ssettm $0x7FFFFFFF  }
tec
execute0_lowered:
.L_overlay_start_1:
0x0: {  	(tag) =	ssettag $0x1  }
0x1: {  	s7 =	rddreg [dreg:$0x0];
	s0 =	stileid.u32  }
0x2: {  	s1 =	rddreg [dreg:$0x1];
	s4 =	simm.s32 $0x0;
	s5 =	sshll.u32 s0, $0x9  }
0x3: {  	[smem:$0x7FF] =	sst s4;
	s6 =	sadd.s32 s5, s7  }
0x4: {  	s3 =	rddreg [dreg:$0x2];
	_ =	strace $0x80000047;
	s6 =	sadd.s32 $0x800, s6  }
0x5: {  	[tilespmem:s4], [sflag:$0x1] =	stream.linear.gather [hbm4b:s6+s4], $0x1000, $0x38;
	[tilespmem:$0x5110] =	vst v63  }
0x6: {  	s6 =	simm.s32 $0x1  }
0x7: {  	s11 =	simm.s32 $0x1000;
	s13 =	simm.f32 $1.000000000e+00;
	_ =	swait.ge [sflag:s6], $0x1000  }
0x8: {  	s18 =	simm.f32 $0.0e+00;
	s8 =	sshll.u32 s0, $0xD;
	[sflag:s6] =	ssyncset.done $0x0  }
0x9: {  	s9 =	sadd.s32 $0x22800, s7;
	s10 =	sshll.u32 s0, $0x10;
	[sflag:s6] =	ssyncadd.s32 $0xFFFFF000  }
0xa: {  	[tilespmem:s11], [sflag:$0x1] =	stream.linear.gather [hbm4b:s9+s4], $0x900, $0x38;
	[tilespmem:$0x5110] =	vst v63  }
0xb: {  	s29 =	sshll.u32 s0, $0x6;
	s8 =	sadd.s32 s8, s7;
	_ =	swait.ge [sflag:s6], $0x900  }
0xc: {  	s28 =	sadd.s32 s10, s3;
	s10 =	sor.u32 $0x1C01, s29;
	[sflag:s6] =	ssyncset.done $0x0  }
0xd: {  	s8 =	sadd.s32 $0x2800, s8;
	s9 =	sshrl.u32 s28, $0x3;
	[sflag:s6] =	ssyncadd.s32 $0xFFFFF700  }
0xe: {  	[spmem:s9], [sflag:s10] =	dma.local [hbm:s8], $0x2000  }
0xf: {  	s15 =	simm.f32 $0.0e+00;
	s16 =	simm.f32 $0.0e+00;
	_ =	swait.ge [sflag:s6], $0x2000  }
0x10: {  	s14 =	simm.s32 $0x0;
	s31 =	sadd.s32 $0x22A00, s7;
	[sflag:s6] =	ssyncset.done $0x0  }
0x11: {  	s30 =	sshrl.u32 s5, $0x2;
	[dreg:$0x4] =	wrdreg s31;
	[sflag:s6] =	ssyncadd.s32 $0xFFFFE000  }
0x12: {  	s8 =	sadd.s32 s30, s1;
	s9 =	simm.f32 $0.0e+00;
	[bflag:$0x0] =	sbarrier.arrive $0xFFFF  }
.LBB2_1:
0x13: {  	s17 =	sshll.u32 s14, $0x7  }
0x14: {  	v0 =	vld [tilespmem:s17+$0x1000];
	_ =	sdelay $0x4  }
0x15: {  	(v2sf) =	vpush v0, $0x0  }
0x16: {  	(v2sf) =	vpush v0, $0x1  }
0x17: {  	(v2sf) =	vpush v0, $0x2  }
0x18: {  	(v2sf) =	vpush v0, $0x3;
	_ =	sdelay $0xb  }
0x19: {  	s19 =	spop (v2sf)  }
0x1a: {  	s20 =	spop (v2sf)  }
0x1b: {  	s21 =	spop (v2sf)  }
0x1c: {  	s21 =	smul.f32 $5.000000000e-01, s21;
	s22 =	spop (v2sf)  }
0x1d: {  	s22 =	smul.f32 $5.000000000e-01, s22  }
0x1e: {  	s23 =	smul.f32 $4.800000190e+00, s21;
	s21 =	sadd.f32 s21, s21  }
0x1f: {  	s24 =	sadd.f32 s22, s22  }
0x20: {  	s22 =	smul.f32 $4.800000190e+00, s22;
	s25 =	sadd.f32 s23, s19  }
0x21: {  	s19 =	ssub.f32 s19, s23  }
0x22: {  	s31 =	sadd.f32 s22, s20  }
0x23: {  	s20 =	ssub.f32 s20, s22  }
0x24: {  	s26 =	ssub.f32 s25, s24  }
0x25: {  	s12 =	sadd.f32 s25, s24  }
0x26: {  	s28 =	sadd.f32 s19, s24  }
0x27: {  	s24 =	ssub.f32 s19, s24  }
0x28: {  	s0 =	sadd.f32 s31, s21  }
0x29: {  	s26 =	ssub.f32 s26, s16  }
0x2a: {  	s11 =	sor.u32 s4, s4;
	s29 =	ssub.f32 s31, s21  }
0x2b: {  	s31 =	sand.u32 $0x40, s4;
	s19 =	ssub.f32 s0, s15;
	s2 =	smul.f32 s26, s13  }
0x2c: {  	s0 =	sand.u32 $0xC00, s4;
	s10 =	smul.f32 s26, s18;
	s26 =	sor.u32 $0x380, s11  }
0x2d: {  	s31 =	sor.u32 s31, s0;
	v0 =	vld [tilespmem:s26+$0x0]  }
0x2e: {  	s30 =	ssub.f32 s20, s21;
	v1 =	vld [tilespmem:s31+$0x100]  }
0x2f: {  	s20 =	sadd.f32 s20, s21;
	s7 =	smul.f32 s19, s18;
	v2 =	vld [tilespmem:s31+$0x180];
	s26 =	simm.s32 $0x20  }
0x30: {  	s25 =	simm.s32 $0x30;
	s23 =	ssub.f32 s12, s16;
	v3 =	vld [tilespmem:s31+$0x0];
	s12 =	sor.u32 s26, s4  }
0x31: {  	v4 =	vld [tilespmem:s31+$0x80];
	s22 =	sadd.f32 s7, s2;
	s7 =	sor.u32 s25, s4;
	s31 =	sor.u32 $0x380, s12  }
0x32: {  	s19 =	smul.f32 s19, s13;
	s12 =	sand.u32 $0x60, s26;
	s7 =	sor.u32 $0x380, s7;
	v6 =	vld [tilespmem:s31+$0x0]  }
0x33: {  	s29 =	ssub.f32 s29, s15;
	s2 =	smul.f32 s23, s13;
	s31 =	sor.u32 s12, s0;
	v5 =	vld [tilespmem:s7+$0x0]  }
0x34: {  	s24 =	ssub.f32 s24, s16;
	s23 =	smul.f32 s23, s18;
	v10 =	vld [tilespmem:s31+$0x100]  }
0x35: {  	s21 =	ssub.f32 s19, s10;
	s19 =	simm.s32 $0x10;
	s7 =	smul.f32 s29, s18;
	v13 =	vld [tilespmem:s31+$0x180]  }
0x36: {  	s20 =	ssub.f32 s20, s15;
	s10 =	sor.u32 s19, s4;
	s29 =	smul.f32 s29, s13;
	v16 =	vld [tilespmem:s31+$0x0]  }
0x37: {  	s11 =	sand.u32 $0x70, s25;
	s10 =	sor.u32 $0x380, s10;
	v25 =	vmov s22;
	v17 =	vld [tilespmem:s31+$0x80];
	s2 =	sadd.f32 s7, s2  }
0x38: {  	s12 =	smul.f32 s24, s18;
	v26 =	vmov s21;
	v7 =	vld [tilespmem:s10+$0x0];
	s10 =	sor.u32 s11, s0;
	v3 =	vsub.f32 v3, v25;
	s23 =	ssub.f32 s29, s23  }
0x39: {  	s28 =	ssub.f32 s28, s16;
	s11 =	smul.f32 s20, s13;
	v4 =	vsub.f32 v4, v26;
	v8 =	vld [tilespmem:s10+$0x100];
	v23 =	vmov s2  }
0x3a: {  	s30 =	ssub.f32 s30, s15;
	s20 =	smul.f32 s20, s18;
	v9 =	vld [tilespmem:s10+$0x180];
	v3 =	vmul.f32 v3, v3;
	v24 =	vmov s23;
	v1 =	vsub.f32 v1, v23  }
0x3b: {  	s7 =	smul.f32 s28, s13;
	v11 =	vld [tilespmem:s10+$0x0];
	s11 =	ssub.f32 s11, s12;
	v4 =	vmul.f32 v4, v4;
	v2 =	vsub.f32 v2, v24;
	v10 =	vsub.f32 v10, v23  }
0x3c: {  	v12 =	vld [tilespmem:s10+$0x80];
	s10 =	sand.u32 $0x50, s19;
	s12 =	smul.f32 s30, s18;
	v13 =	vsub.f32 v13, v24;
	v16 =	vsub.f32 v16, v25  }
0x3d: {  	s0 =	sor.u32 s10, s0;
	s10 =	smul.f32 s30, s13;
	v19 =	vmov s11;
	v17 =	vsub.f32 v17, v26;
	v3 =	vadd.f32 v4, v3  }
0x3e: {  	p0 =	por $0x0, $0x0;
	s30 =	smul.f32 s24, s13;
	v0 =	vsub.f32 v0, v19;
	v5 =	vsub.f32 v5, v19  }
0x3f: {  	s29 =	smul.f32 s28, s18;
	s23 =	sand.u32 $0x7, s4;
	s7 =	sadd.f32 s12, s7;
	v6 =	vsub.f32 v6, v19;
	v7 =	vsub.f32 v7, v19  }
0x40: {  	v14 =	vld [tilespmem:s0+$0x100];
	s12 =	simm.s32 $0x1;
	s2 =	sadd.f32 s20, s30;
	s20 =	sshll.u32 s23, $0x4;
	v8 =	vsub.f32 v8, v23;
	v9 =	vsub.f32 v9, v24  }
0x41: {  	v15 =	vld [tilespmem:s0+$0x180];
	s10 =	ssub.f32 s10, s29;
	s12 =	simm.s32 @!p0 $0x0;
	s29 =	sadd.s32 $0x0, s20;
	v32 =	vmov s7;
	v1 =	vmul.f32 v1, v1;
	v2 =	vmul.f32 v2, v2  }
0x42: {  	v18 =	vld [tilespmem:s0+$0x0];
	s21 =	sshll.u32 s12, $0x6;
	v11 =	vsub.f32 v11, v25;
	s23 =	sadd.s32 $0x10, s29;
	v10 =	vmul.f32 v10, v10;
	v13 =	vmul.f32 v13, v13  }
0x43: {  	s22 =	sand.u32 $0x3, s4;
	[tilespmem:$0x1FED0] =	vst v19;
	v19 =	vld [tilespmem:s0+$0x80];
	v33 =	vmov s10;
	v16 =	vmul.f32 v16, v16;
	v17 =	vmul.f32 v17, v17;
	s11 =	sadd.s32 $0x0, s21;
	s7 =	sor.u32 $0x300, s23  }
0x44: {  	s12 =	sshll.u32 s22, $0x5;
	v12 =	vsub.f32 v12, v26;
	v0 =	vmul.f32 v0, v0;
	v6 =	vmul.f32 v6, v6;
	s24 =	sor.u32 $0x300, s11;
	v27 =	vld [tilespmem:s7+$0x0]  }
0x45: {  	v34 =	vmov s2;
	s12 =	sadd.s32 $0x0, s12;
	v5 =	vmul.f32 v5, v5;
	v7 =	vmul.f32 v7, v7;
	s28 =	sor.u32 $0x200, s11;
	v20 =	vld [tilespmem:s24+$0x0]  }
0x46: {  	s30 =	sor.u32 $0x280, s11;
	s31 =	sadd.s32 $0x20, s12;
	v14 =	vsub.f32 v14, v23;
	v15 =	vsub.f32 v15, v24;
	v8 =	vmul.f32 v8, v8;
	v21 =	vld [tilespmem:s28+$0x0]  }
0x47: {  	s12 =	sadd.s32 $0x30, s29;
	v18 =	vsub.f32 v18, v25;
	v9 =	vmul.f32 v9, v9;
	v11 =	vmul.f32 v11, v11;
	v22 =	vld [tilespmem:s30+$0x0];
	s20 =	sor.u32 $0x300, s31  }
0x48: {  	[tilespmem:$0x1FEE0] =	vst v23;
	v12 =	vmul.f32 v12, v12;
	v1 =	vadd.f32 v2, v1;
	v10 =	vadd.f32 v13, v10;
	s21 =	sor.u32 $0x300, s12;
	v23 =	vld [tilespmem:s20+$0x0]  }
0x49: {  	[tilespmem:$0x1FEF0] =	vst v24;
	v17 =	vadd.f32 v17, v16;
	s22 =	sor.u32 $0x200, s12;
	v24 =	vld [tilespmem:s21+$0x0];
	v14 =	vmul.f32 v14, v14;
	v15 =	vmul.f32 v15, v15  }
0x4a: {  	[tilespmem:$0x1FF00] =	vst v25;
	s24 =	sor.u32 $0x280, s12;
	v19 =	vsub.f32 v19, v26;
	v25 =	vld [tilespmem:s22+$0x0];
	v18 =	vmul.f32 v18, v18;
	v8 =	vadd.f32 v9, v8  }
0x4b: {  	[tilespmem:$0x1FF10] =	vst v26;
	s28 =	sor.u32 $0x200, s31;
	v26 =	vld [tilespmem:s24+$0x0];
	v11 =	vadd.f32 v12, v11;
	v16 =	vmax.f32 v10, $9.999999960e-13;
	v14 =	vadd.f32 v15, v14  }
0x4c: {  	s29 =	sor.u32 $0x280, s31;
	v28 =	vld [tilespmem:s28+$0x0];
	v19 =	vmul.f32 v19, v19;
	v27 =	vsub.f32 v27, v34;
	v20 =	vsub.f32 v20, v34  }
0x4d: {  	s30 =	sor.u32 $0x200, s23;
	v29 =	vld [tilespmem:s29+$0x0];
	v58 =	vshrl.u32 v16, $0x1;
	v21 =	vsub.f32 v21, v32;
	v22 =	vsub.f32 v22, v33  }
0x4e: {  	s31 =	sor.u32 $0x280, s23;
	v30 =	vld [tilespmem:s30+$0x0];
	v56 =	vadd.f32 v19, v18;
	v18 =	vmax.f32 v8, $9.999999960e-13;
	v23 =	vsub.f32 v23, v34  }
0x4f: {  	v31 =	vld [tilespmem:s31+$0x0];
	v57 =	vmax.f32 v14, $9.999999960e-13;
	v24 =	vsub.f32 v24, v34;
	v25 =	vsub.f32 v25, v32  }
0x50: {  	v26 =	vsub.f32 v26, v33;
	v41 =	vmul.f32 $5.000000000e-01, v18;
	v21 =	vmul.f32 v21, v21  }
0x51: {  	v28 =	vsub.f32 v28, v32;
	v20 =	vmul.f32 v20, v20;
	v2 =	vmul.f32 v22, v22  }
0x52: {  	v29 =	vsub.f32 v29, v33;
	v24 =	vmul.f32 v24, v24;
	v4 =	vmul.f32 v23, v23  }
0x53: {  	v30 =	vsub.f32 v30, v32;
	v23 =	vmul.f32 v25, v25;
	v25 =	vmul.f32 v27, v27  }
0x54: {  	v31 =	vsub.f32 v31, v33;
	v9 =	vmul.f32 v26, v26;
	v54 =	vmul.f32 v28, v28  }
0x55: {  	v22 =	vmax.f32 v1, $9.999999960e-13;
	v26 =	vmul.f32 v29, v29;
	v55 =	vmul.f32 v30, v30  }
0x56: {  	v19 =	vmul.f32 v31, v31;
	v8 =	vshrl.u32 v22, $0x1;
	v39 =	vmul.f32 $5.000000000e-01, v22  }
0x57: {  	v31 =	vmul.f32 $5.000000000e-01, v16;
	v30 =	vmul.f32 $5.000000000e-01, v57;
	v1 =	vadd.f32 v2, v21  }
0x58: {  	v0 =	vadd.f32 v0, v20;
	v21 =	vmax.f32 v3, $9.999999960e-13;
	v2 =	vadd.f32 v6, v4  }
0x59: {  	v20 =	vmax.f32 v56, $9.999999960e-13;
	v3 =	vadd.f32 v5, v24;
	v4 =	vadd.f32 v7, v25  }
0x5a: {  	v8 =	vsub.s32 $0x5F3759DF, v8;
	v5 =	vadd.f32 v9, v23;
	v6 =	vadd.f32 v26, v54  }
0x5b: {  	v23 =	vmax.f32 v11, $9.999999960e-13;
	v7 =	vadd.f32 v19, v55;
	v9 =	vmax.f32 v17, $9.999999960e-13  }
0x5c: {  	v10 =	vshrl.u32 v21, $0x1;
	v40 =	vmul.f32 $5.000000000e-01, v21;
	v11 =	vshrl.u32 v18, $0x1  }
0x5d: {  	v26 =	vshrl.u32 v57, $0x1;
	v28 =	vmul.f32 $5.000000000e-01, v20;
	v19 =	vmax.f32 v0, $9.999999960e-13  }
0x5e: {  	v0 =	vshrl.u32 v23, $0x1;
	v27 =	vmul.f32 $5.000000000e-01, v23;
	v59 =	vshrl.u32 v9, $0x1  }
0x5f: {  	v25 =	vmax.f32 v1, $9.999999960e-13;
	v29 =	vmul.f32 $5.000000000e-01, v9;
	v1 =	vsub.s32 $0x5F3759DF, v10  }
0x60: {  	v10 =	vshrl.u32 v20, $0x1;
	v60 =	vmax.f32 v2, $9.999999960e-13;
	v2 =	vsub.s32 $0x5F3759DF, v11  }
0x61: {  	[tilespmem:$0x1FF80] =	vst v9;
	v9 =	vmax.f32 v3, $9.999999960e-13;
	v24 =	vmax.f32 v4, $9.999999960e-13;
	v3 =	vsub.s32 $0x5F3759DF, v58  }
0x62: {  	v11 =	vmax.f32 v5, $9.999999960e-13;
	v4 =	vshrl.u32 v19, $0x1;
	v61 =	vmax.f32 v6, $9.999999960e-13  }
0x63: {  	v0 =	vsub.s32 $0x5F3759DF, v0;
	v38 =	vmul.f32 $5.000000000e-01, v19;
	v5 =	vsub.s32 $0x5F3759DF, v26  }
0x64: {  	v26 =	vmax.f32 v7, $9.999999960e-13;
	v6 =	vmul.f32 v8, v39;
	v7 =	vshrl.u32 v25, $0x1  }
0x65: {  	v62 =	vsub.s32 $0x5F3759DF, v59;
	v43 =	vmul.f32 v1, v40;
	v42 =	vmul.f32 $5.000000000e-01, v25  }
0x66: {  	[tilespmem:$0x1FF30] =	vst v32;
	v10 =	vsub.s32 $0x5F3759DF, v10;
	v37 =	vmul.f32 $5.000000000e-01, v9;
	v32 =	vmul.f32 $5.000000000e-01, v60  }
0x67: {  	v44 =	vshrl.u32 v60, $0x1;
	v46 =	vmul.f32 v2, v41;
	v35 =	vmul.f32 $5.000000000e-01, v24  }
0x68: {  	[tilespmem:$0x1FF40] =	vst v33;
	v45 =	vshrl.u32 v9, $0x1;
	v33 =	vmul.f32 $5.000000000e-01, v11;
	v49 =	vmul.f32 v3, v31  }
0x69: {  	[tilespmem:$0x1FF20] =	vst v34;
	v47 =	vshrl.u32 v11, $0x1;
	v34 =	vmul.f32 $5.000000000e-01, v61;
	v51 =	vmul.f32 v5, v30  }
0x6a: {  	v48 =	vshrl.u32 v24, $0x1;
	v52 =	vmul.f32 v0, v27;
	v36 =	vmul.f32 $5.000000000e-01, v26  }
0x6b: {  	v50 =	vshrl.u32 v61, $0x1;
	v53 =	vmul.f32 v62, v29;
	v56 =	vmul.f32 v10, v28  }
0x6c: {  	v4 =	vsub.s32 $0x5F3759DF, v4;
	v6 =	vmul.f32 v8, v6;
	v43 =	vmul.f32 v1, v43  }
0x6d: {  	v54 =	vmul.f32 v4, v38;
	v45 =	vsub.s32 $0x5F3759DF, v45;
	v46 =	vmul.f32 v2, v46  }
0x6e: {  	v44 =	vsub.s32 $0x5F3759DF, v44;
	v49 =	vmul.f32 v3, v49;
	v63 =	vmul.f32 v45, v37  }
0x6f: {  	[tilespmem:$0x1FF70] =	vst v57;
	v48 =	vsub.s32 $0x5F3759DF, v48;
	v57 =	vmul.f32 v44, v32;
	v52 =	vmul.f32 v0, v52  }
0x70: {  	v50 =	vsub.s32 $0x5F3759DF, v50;
	v51 =	vmul.f32 v5, v51;
	v58 =	vmul.f32 v48, v35  }
0x71: {  	[tilespmem:$0x1FFC0] =	vst v61;
	v7 =	vsub.s32 $0x5F3759DF, v7;
	v53 =	vmul.f32 v62, v53;
	v61 =	vmul.f32 v50, v34  }
0x72: {  	v6 =	vsub.f32 $1.500000000e+00, v6;
	v43 =	vsub.f32 $1.500000000e+00, v43;
	v54 =	vmul.f32 v4, v54  }
0x73: {  	v46 =	vsub.f32 $1.500000000e+00, v46;
	v49 =	vsub.f32 $1.500000000e+00, v49;
	v12 =	vmul.f32 v50, v61  }
0x74: {  	v52 =	vsub.f32 $1.500000000e+00, v52;
	v6 =	vmul.f32 v8, v6;
	v8 =	vmul.f32 v7, v42  }
0x75: {  	v51 =	vsub.f32 $1.500000000e+00, v51;
	v1 =	vmul.f32 v1, v43;
	v43 =	vmul.f32 v45, v63  }
0x76: {  	v55 =	vsub.f32 $1.500000000e+00, v53;
	v2 =	vmul.f32 v2, v46;
	v3 =	vmul.f32 v3, v49  }
0x77: {  	[tilespmem:$0x1FFA0] =	vst v60;
	v60 =	vsub.f32 $1.500000000e+00, v54;
	v0 =	vmul.f32 v0, v52;
	v53 =	vmul.f32 v5, v51  }
0x78: {  	v46 =	vsub.s32 $0x5F3759DF, v47;
	v55 =	vmul.f32 v62, v55;
	v62 =	vmul.f32 v10, v56  }
0x79: {  	v5 =	vshrl.u32 v26, $0x1;
	v47 =	vmul.f32 v44, v57;
	v49 =	vmul.f32 v48, v58  }
0x7a: {  	v59 =	vmul.f32 v46, v33;
	v5 =	vsub.s32 $0x5F3759DF, v5;
	v54 =	vmul.f32 v4, v60  }
0x7b: {  	v8 =	vmul.f32 v7, v8;
	v43 =	vsub.f32 $1.500000000e+00, v43;
	v4 =	vmul.f32 v5, v36  }
0x7c: {  	v51 =	vsub.f32 $1.500000000e+00, v62;
	v63 =	vmul.f32 v53, v30;
	v14 =	vmul.f32 v0, v27  }
0x7d: {  	v49 =	vsub.f32 $1.500000000e+00, v49;
	v52 =	vmul.f32 v46, v59;
	v60 =	vmul.f32 v45, v43  }
0x7e: {  	v8 =	vsub.f32 $1.500000000e+00, v8;
	v15 =	vmul.f32 v54, v38;
	v4 =	vmul.f32 v5, v4  }
0x7f: {  	v61 =	vmul.f32 v10, v51;
	v10 =	vsub.f32 $1.500000000e+00, v47;
	v47 =	vmul.f32 v6, v39  }
0x80: {  	v57 =	vmul.f32 v48, v49;
	v59 =	vmul.f32 v7, v8  }
0x81: {  	v7 =	vsub.f32 $1.500000000e+00, v52;
	v8 =	vmul.f32 v1, v40;
	v58 =	vmul.f32 v44, v10  }
0x82: {  	v10 =	vmul.f32 v2, v41;
	v4 =	vsub.f32 $1.500000000e+00, v4;
	v13 =	vmul.f32 v47, v6  }
0x83: {  	v12 =	vsub.f32 $1.500000000e+00, v12;
	v56 =	vmul.f32 v46, v7;
	v7 =	vmul.f32 v3, v31  }
0x84: {  	v49 =	vmul.f32 v5, v4;
	v5 =	vmul.f32 v8, v1  }
0x85: {  	v52 =	vmul.f32 v50, v12;
	v8 =	vsub.f32 $1.500000000e+00, v13;
	v10 =	vmul.f32 v10, v2  }
0x86: {  	v4 =	vmul.f32 v55, v29;
	v7 =	vmul.f32 v7, v3;
	v5 =	vsub.f32 $1.500000000e+00, v5  }
0x87: {  	v47 =	vmul.f32 v8, v6;
	v6 =	vmul.f32 v61, v28;
	v10 =	vsub.f32 $1.500000000e+00, v10  }
0x88: {  	v8 =	vmul.f32 v14, v0;
	v48 =	vmul.f32 v5, v1  }
0x89: {  	v1 =	vmul.f32 v59, v42;
	v5 =	vsub.f32 $1.500000000e+00, v7;
	v50 =	vmul.f32 v10, v2  }
0x8a: {  	v2 =	vmul.f32 v60, v37;
	v7 =	vsub.f32 $1.500000000e+00, v8;
	v8 =	vmul.f32 v4, v55  }
0x8b: {  	v10 =	vmul.f32 v15, v54;
	v4 =	vmul.f32 v6, v61  }
0x8c: {  	v6 =	vmul.f32 v52, v34;
	v51 =	vmul.f32 v5, v3  }
0x8d: {  	[tilespmem:$0x1FF90] =	vst v9;
	v9 =	vimm.f32 $3.000000010e+38;
	v5 =	vmul.f32 v58, v32;
	v46 =	vmul.f32 v7, v0  }
0x8e: {  	[tilespmem:$0x1FFD0] =	vst v9;
	v9 =	vimm.s32 $0x0;
	v0 =	vmul.f32 v56, v33;
	v7 =	vmul.f32 v63, v53  }
0x8f: {  	[tilespmem:$0x1FFE0] =	vst v9;
	v9 =	vlaneseq.u32;
	v45 =	vmul.f32 v1, v59;
	v3 =	vmul.f32 v2, v60  }
0x90: {  	v44 =	vor.u32 s26, v9;
	v2 =	vmul.f32 v5, v58;
	v5 =	vmul.f32 v57, v35  }
0x91: {  	[tilespmem:$0x1FF50] =	vst v16;
	v63 =	vmul.f32 v6, v52;
	v4 =	vsub.f32 $1.500000000e+00, v4;
	v1 =	vmul.f32 v0, v56  }
0x92: {  	[tilespmem:$0x1FF60] =	vst v18;
	v8 =	vsub.f32 $1.500000000e+00, v8;
	v0 =	vmul.f32 v5, v57;
	v5 =	vmul.f32 v49, v36  }
0x93: {  	s23 =	simm.s32 $0x0;
	s20 =	simm.s32 $0x0;
	[tilespmem:$0x1FFB0] =	vst v11;
	v6 =	vsub.f32 $1.500000000e+00, v7;
	v7 =	vsub.f32 $1.500000000e+00, v10;
	v10 =	vor.u32 s25, v9  }
0x94: {  	s21 =	simm.s32 $0x200;
	s22 =	simm.s32 $0x40;
	s24 =	simm.s32 $0x0;
	[tilespmem:$0x1FFF0] =	vst v10;
	v62 =	vmul.f32 v5, v49;
	v5 =	vsub.f32 $1.500000000e+00, v45;
	v45 =	vor.u32 s4, v9  }
.LBB2_2:
0x95: {  	s0 =	sor.u32 s22, s21;
	v9 =	vlaneseq.u32;
	v11 =	vmov v23;
	v23 =	vld [tilespmem:$0x1FF10]  }
0x96: {  	s2 =	sand.u32 $0x40, s22;
	s28 =	sand.u32 $0xC00, s21;
	s0 =	sor.u32 $0x380, s0;
	v7 =	vmul.f32 v7, v54;
	v54 =	vmul.f32 v47, v39;
	v39 =	vor.u32 s19, v9;
	v9 =	vld [tilespmem:$0x1FED0]  }
0x97: {  	v3 =	vsub.f32 $1.500000000e+00, v3;
	s2 =	sor.u32 s2, s28;
	v14 =	vld [tilespmem:s0+$0x0]  }
0x98: {  	v6 =	vmul.f32 v6, v53;
	v8 =	vmul.f32 v8, v55;
	v15 =	vsub.f32 $1.500000000e+00, v63;
	v55 =	vld [tilespmem:s2+$0x100]  }
0x99: {  	v4 =	vmul.f32 v4, v61;
	v5 =	vmul.f32 v5, v59;
	v43 =	vsub.f32 $1.500000000e+00, v62;
	v59 =	vld [tilespmem:s2+$0x180]  }
0x9a: {  	v2 =	vsub.f32 $1.500000000e+00, v2;
	v40 =	vmul.f32 v48, v40;
	v52 =	vmul.f32 v15, v52;
	v15 =	vld [tilespmem:$0x1FEE0]  }
0x9b: {  	s25 =	sadd.s32 $0x30, s22;
	v1 =	vsub.f32 $1.500000000e+00, v1;
	v41 =	vmul.f32 v50, v41;
	v49 =	vmul.f32 v43, v49;
	v43 =	vld [tilespmem:$0x1FEF0]  }
0x9c: {  	s26 =	sadd.s32 $0x20, s22;
	v0 =	vsub.f32 $1.500000000e+00, v0;
	s12 =	sor.u32 s25, s21;
	v61 =	vmul.f32 v51, v31;
	v2 =	vmul.f32 v2, v58;
	v58 =	vld [tilespmem:s2+$0x0]  }
0x9d: {  	s19 =	sadd.s32 $0x10, s22;
	s29 =	sor.u32 s26, s21;
	v62 =	vmul.f32 v46, v27;
	s0 =	sor.u32 $0x380, s12;
	v1 =	vmul.f32 v1, v56;
	v56 =	vld [tilespmem:s2+$0x80]  }
0x9e: {  	v3 =	vmul.f32 v3, v60;
	s7 =	sor.u32 s19, s21;
	v0 =	vmul.f32 v0, v57;
	s2 =	sor.u32 $0x380, s29;
	v53 =	vld [tilespmem:s0+$0x0]  }
0x9f: {  	v60 =	vmul.f32 v6, v30;
	s30 =	sor.u32 $0x380, s7;
	v57 =	vmul.f32 v8, v29;
	v27 =	vsub.f32 v55, v15;
	v55 =	vld [tilespmem:s2+$0x0]  }
0xa0: {  	v63 =	vmul.f32 v7, v38;
	v10 =	vmul.f32 v4, v28;
	v29 =	vsub.f32 v59, v43;
	v59 =	vld [tilespmem:s30+$0x0]  }
0xa1: {  	v54 =	vmul.f32 v54, v47;
	v42 =	vmul.f32 v5, v42  }
0xa2: {  	s31 =	sand.u32 $0x70, s25;
	v40 =	vmul.f32 v40, v48;
	v41 =	vmul.f32 v41, v50  }
0xa3: {  	v17 =	vld [tilespmem:$0x1FF00];
	s29 =	sor.u32 s31, s28;
	v12 =	vmul.f32 v3, v37;
	v10 =	vmul.f32 v10, v4;
	v31 =	vsub.f32 v14, v9  }
0xa4: {  	v38 =	vsub.f32 v56, v23;
	v56 =	vld [tilespmem:s29+$0x180];
	v30 =	vsub.f32 v53, v9;
	v53 =	vmul.f32 v2, v32  }
0xa5: {  	v37 =	vsub.f32 v55, v9;
	v55 =	vmul.f32 v1, v33;
	v33 =	vsub.f32 v59, v9;
	v9 =	vld [tilespmem:$0x1FF60]  }
0xa6: {  	v41 =	vsub.f32 $1.500000000e+00, v41;
	v10 =	vsub.f32 $1.500000000e+00, v10;
	v53 =	vmul.f32 v53, v2  }
0xa7: {  	v35 =	vmul.f32 v0, v35;
	v36 =	vmul.f32 v49, v36  }
0xa8: {  	v41 =	vmul.f32 v41, v50;
	v4 =	vmul.f32 v10, v4;
	v10 =	vsub.f32 $1.500000000e+00, v53  }
0xa9: {  	v28 =	vsub.f32 v58, v17;
	v58 =	vld [tilespmem:s29+$0x100];
	v59 =	vmul.f32 v61, v51;
	v61 =	vmul.f32 v52, v34  }
0xaa: {  	v34 =	vsub.f32 v56, v43;
	v2 =	vmul.f32 v10, v2;
	v10 =	vmul.f32 v41, v9;
	v9 =	vld [tilespmem:$0x1FF50]  }
0xab: {  	v56 =	vmul.f32 v57, v8;
	v57 =	vmul.f32 v63, v7;
	v59 =	vsub.f32 $1.500000000e+00, v59  }
0xac: {  	v40 =	vsub.f32 $1.500000000e+00, v40;
	v42 =	vmul.f32 v42, v5;
	v12 =	vmul.f32 v12, v3  }
0xad: {  	v14 =	vsub.f32 $1.500000000e+00, v56;
	v56 =	vsub.f32 $1.500000000e+00, v57;
	v57 =	vmul.f32 v59, v51  }
0xae: {  	v35 =	vmul.f32 v35, v0;
	v32 =	vsub.f32 v58, v15;
	v58 =	vmul.f32 v60, v6  }
0xaf: {  	v40 =	vmul.f32 v40, v48;
	v42 =	vsub.f32 $1.500000000e+00, v42;
	v16 =	vmul.f32 v57, v9;
	v9 =	vld [tilespmem:$0x1FF70]  }
0xb0: {  	v36 =	vmul.f32 v36, v49;
	v12 =	vsub.f32 $1.500000000e+00, v12;
	v58 =	vsub.f32 $1.500000000e+00, v58  }
0xb1: {  	v5 =	vmul.f32 v42, v5;
	v21 =	vmul.f32 v40, v21;
	v35 =	vsub.f32 $1.500000000e+00, v35  }
0xb2: {  	v54 =	vsub.f32 $1.500000000e+00, v54;
	v3 =	vmul.f32 v12, v3;
	v6 =	vmul.f32 v58, v6  }
0xb3: {  	v42 =	vsub.f32 $1.500000000e+00, v36;
	v0 =	vmul.f32 v35, v0;
	v60 =	vmul.f32 v62, v46  }
0xb4: {  	v63 =	vmul.f32 v54, v47;
	v6 =	vmul.f32 v6, v9;
	v9 =	vld [tilespmem:$0x1FF80]  }
0xb5: {  	s10 =	sand.u32 $0x50, s19;
	v4 =	vmul.f32 v4, v20;
	v20 =	vmul.f32 v42, v49;
	v60 =	vsub.f32 $1.500000000e+00, v60  }
0xb6: {  	s7 =	sand.u32 $0x60, s26;
	s0 =	sor.u32 s10, s28;
	v50 =	vld [tilespmem:$0x1FF20];
	v5 =	vmul.f32 v5, v25;
	v22 =	vmul.f32 v63, v22  }
0xb7: {  	s30 =	sor.u32 s7, s28;
	v21 =	vadd.f32 $0.0e+00, v21;
	v47 =	vld [tilespmem:s0+$0x100];
	v59 =	vmul.f32 v60, v46;
	v8 =	vmul.f32 v14, v8  }
0xb8: {  	v25 =	vmul.f32 v30, v30;
	v4 =	vadd.f32 $0.0e+00, v4;
	v63 =	vld [tilespmem:s30+$0x180];
	v7 =	vmul.f32 v56, v7  }
0xb9: {  	v13 =	vadd.f32 v22, v21;
	v8 =	vmul.f32 v8, v9;
	v9 =	vmul.f32 v59, v11;
	v11 =	vld [tilespmem:$0x1FFA0]  }
0xba: {  	v0 =	vmul.f32 v0, v24;
	v60 =	vld [tilespmem:s30+$0x100];
	v4 =	vadd.f32 v6, v4;
	v6 =	vmul.f32 v20, v26  }
0xbb: {  	v61 =	vmul.f32 v61, v52;
	v21 =	vld [tilespmem:s29+$0x0];
	v7 =	vmul.f32 v7, v19;
	v5 =	vadd.f32 v5, v13  }
0xbc: {  	v55 =	vmul.f32 v55, v1;
	v24 =	vmul.f32 v37, v37;
	v4 =	vadd.f32 v6, v4;
	v6 =	vld [tilespmem:$0x1FFC0]  }
0xbd: {  	v30 =	vmul.f32 v34, v34;
	v40 =	vsub.f32 $1.500000000e+00, v61;
	v5 =	vadd.f32 v7, v5;
	v7 =	vld [tilespmem:s30+$0x0]  }
0xbe: {  	v62 =	vsub.f32 $1.500000000e+00, v55;
	v13 =	vsub.f32 v47, v15;
	v2 =	vmul.f32 v2, v11;
	v11 =	vld [tilespmem:$0x1FFD0]  }
0xbf: {  	v12 =	vmul.f32 v40, v52;
	v19 =	vld [tilespmem:s29+$0x80];
	v8 =	vadd.f32 $0.0e+00, v8;
	v9 =	vadd.f32 $0.0e+00, v9  }
0xc0: {  	p0 =	por !p0, !p0;
	s2 =	simm.s32 $0x1;
	v51 =	vld [tilespmem:$0x1FF30];
	v1 =	vmul.f32 v62, v1;
	v14 =	vsub.f32 v63, v43;
	v18 =	vsub.f32 v60, v15  }
0xc1: {  	s2 =	simm.s32 @!p0 $0x0;
	v8 =	vadd.f32 v16, v8;
	v6 =	vmul.f32 v12, v6;
	v9 =	vadd.f32 v10, v9;
	v10 =	vld [tilespmem:$0x1FFB0]  }
0xc2: {  	s23 =	sadd.s32 $0x4, s23;
	s2 =	sshll.u32 s2, $0x6;
	v52 =	vld [tilespmem:$0x1FF40];
	v14 =	vmul.f32 v14, v14;
	v18 =	vmul.f32 v18, v18;
	v7 =	vsub.f32 v7, v17  }
0xc3: {  	s11 =	sand.u32 $0x7, s23;
	s2 =	sadd.s32 s2, s21;
	v0 =	vadd.f32 v0, v4;
	v4 =	vadd.f32 v6, v8;
	v8 =	vld [tilespmem:$0x1FFE0];
	vm0 =	vlt.f32 v5, v11  }
0xc4: {  	s7 =	sshll.u32 s11, $0x4;
	s11 =	sor.u32 $0x300, s2;
	v13 =	vmul.f32 v13, v13;
	v48 =	vsub.f32 v19, v23;
	v5 =	vsel vm0, v5, v11;
	v11 =	vld [tilespmem:$0x1FF90]  }
0xc5: {  	v14 =	vadd.f32 v14, v18;
	v7 =	vmul.f32 v7, v7;
	v2 =	vadd.f32 v2, v4;
	v4 =	vld [tilespmem:s11+$0x0]  }
0xc6: {  	v20 =	vmul.f32 v28, v28;
	v1 =	vmul.f32 v1, v10;
	v10 =	vld [tilespmem:s30+$0x80]  }
0xc7: {  	v14 =	vmax.f32 v14, $9.999999960e-13;
	v26 =	vmul.f32 v33, v33;
	v16 =	vld [tilespmem:s0+$0x180];
	v12 =	vmul.f32 v48, v48  }
0xc8: {  	s24 =	sadd.s32 $0x2, s24;
	v6 =	vld [tilespmem:s0+$0x0];
	v1 =	vadd.f32 v1, v9;
	v9 =	vsub.f32 v21, v17;
	vm13 =	vlt.f32 v0, v5  }
0xc9: {  	s10 =	sand.u32 $0x3, s24;
	s28 =	sor.u32 $0x200, s2;
	v8 =	vsel vm0, v45, v8;
	v0 =	vsel vm13, v0, v5;
	v3 =	vmul.f32 v3, v11;
	v11 =	vld [tilespmem:s0+$0x80];
	s0 =	sadd.s32 s21, s7  }
0xca: {  	s12 =	sshll.u32 s10, $0x5;
	s2 =	sor.u32 $0x280, s2;
	v5 =	vsel vm13, v39, v8;
	v8 =	vld [tilespmem:s28+$0x0];
	v4 =	vsub.f32 v4, v50;
	v9 =	vmul.f32 v9, v9;
	s29 =	sadd.s32 $0x30, s0  }
0xcb: {  	vm14 =	vlt.f32 v2, v0;
	v10 =	vsub.f32 v10, v23;
	s7 =	sadd.s32 s21, s12;
	v1 =	vadd.f32 v3, v1;
	v3 =	vld [tilespmem:s2+$0x0];
	s30 =	sor.u32 $0x300, s29  }
0xcc: {  	v0 =	vsel vm14, v2, v0;
	v2 =	vsel vm14, v44, v5;
	v5 =	vsub.f32 v16, v43;
	s2 =	sadd.s32 $0x20, s7;
	s28 =	sor.u32 $0x280, s29;
	v49 =	vld [tilespmem:s30+$0x0]  }
0xcd: {  	v21 =	vmul.f32 v38, v38;
	v4 =	vmul.f32 v4, v4;
	v9 =	vadd.f32 v12, v9;
	s31 =	sor.u32 $0x300, s2;
	v19 =	vld [tilespmem:s28+$0x0]  }
0xce: {  	v10 =	vmul.f32 v10, v10;
	s0 =	sadd.s32 $0x10, s0;
	v5 =	vmul.f32 v5, v5;
	s12 =	sor.u32 $0x200, s29;
	vm15 =	vlt.f32 v1, v0;
	v16 =	vld [tilespmem:s31+$0x0]  }
0xcf: {  	v8 =	vsub.f32 v8, v51;
	s31 =	sor.u32 $0x200, s0;
	v0 =	vsel vm15, v1, v0;
	v1 =	vsub.f32 v6, v17;
	v6 =	vld [tilespmem:s12+$0x0]  }
0xd0: {  	v7 =	vadd.f32 v10, v7;
	v17 =	vmul.f32 v29, v29;
	v28 =	vld [tilespmem:s31+$0x0];
	v29 =	vmul.f32 v32, v32  }
0xd1: {  	s29 =	sor.u32 $0x300, s0;
	v5 =	vadd.f32 v5, v13;
	v8 =	vmul.f32 v8, v8;
	[tilespmem:$0x1FFD0] =	vst v0;
	v0 =	vld [tilespmem:$0x1FFF0];
	v3 =	vsub.f32 v3, v52  }
0xd2: {  	v22 =	vld [tilespmem:s29+$0x0];
	v1 =	vmul.f32 v1, v1;
	v29 =	vadd.f32 v30, v29;
	v15 =	vsub.f32 v49, v50  }
0xd3: {  	v19 =	vsub.f32 v19, v52;
	v16 =	vsub.f32 v16, v50;
	v3 =	vmul.f32 v3, v3  }
0xd4: {  	v54 =	vmax.f32 v29, $9.999999960e-13;
	v6 =	vsub.f32 v6, v51;
	v15 =	vmul.f32 v15, v15  }
0xd5: {  	v28 =	vsub.f32 v28, v51;
	v19 =	vmul.f32 v19, v19;
	v41 =	vmul.f32 $5.000000000e-01, v54  }
0xd6: {  	v0 =	vsel vm15, v0, v2;
	v2 =	vsub.f32 v11, v23;
	v11 =	vmul.f32 v27, v27  }
0xd7: {  	s30 =	sor.u32 $0x200, s2;
	v22 =	vsub.f32 v22, v50;
	v16 =	vmul.f32 v16, v16;
	[tilespmem:$0x1FFE0] =	vst v0;
	v0 =	vmul.f32 v31, v31  }
0xd8: {  	s2 =	sor.u32 $0x280, s2;
	v23 =	vld [tilespmem:s30+$0x0];
	v3 =	vadd.f32 v3, v8;
	v6 =	vmul.f32 v6, v6;
	v53 =	vmul.f32 v28, v28  }
0xd9: {  	v27 =	vld [tilespmem:s2+$0x0];
	v8 =	vadd.f32 v25, v15;
	v2 =	vmul.f32 v2, v2;
	v11 =	vadd.f32 v17, v11  }
0xda: {  	v17 =	vadd.f32 v21, v20;
	v20 =	vmul.f32 v22, v22;
	v0 =	vadd.f32 v0, v4  }
0xdb: {  	s0 =	sor.u32 $0x280, s0;
	v25 =	vmax.f32 v3, $9.999999960e-13;
	v4 =	vadd.f32 v24, v16;
	v6 =	vadd.f32 v19, v6  }
0xdc: {  	v31 =	vld [tilespmem:s0+$0x0];
	v42 =	vmul.f32 $5.000000000e-01, v25;
	v1 =	vadd.f32 v2, v1;
	v22 =	vmax.f32 v11, $9.999999960e-13  }
0xdd: {  	v21 =	vmax.f32 v17, $9.999999960e-13;
	v10 =	vadd.f32 v26, v20;
	v11 =	vmax.f32 v5, $9.999999960e-13  }
0xde: {  	v17 =	vshrl.u32 v14, $0x1;
	v23 =	vsub.f32 v23, v51;
	v27 =	vsub.f32 v27, v52  }
0xdf: {  	v5 =	vshrl.u32 v22, $0x1;
	v39 =	vmul.f32 $5.000000000e-01, v22;
	v40 =	vmul.f32 $5.000000000e-01, v21  }
0xe0: {  	v19 =	vmax.f32 v0, $9.999999960e-13;
	v26 =	vshrl.u32 v11, $0x1;
	v30 =	vmul.f32 $5.000000000e-01, v11  }
0xe1: {  	[tilespmem:$0x1FF70] =	vst v11;
	v11 =	vmax.f32 v4, $9.999999960e-13;
	v57 =	vmax.f32 v6, $9.999999960e-13;
	v31 =	vsub.f32 v31, v52  }
0xe2: {  	v20 =	vmax.f32 v1, $9.999999960e-13;
	v1 =	vshrl.u32 v21, $0x1;
	v5 =	vsub.s32 $0x5F3759DF, v5  }
0xe3: {  	v24 =	vmax.f32 v10, $9.999999960e-13;
	v6 =	vshrl.u32 v19, $0x1;
	v38 =	vmul.f32 $5.000000000e-01, v19  }
0xe4: {  	v10 =	vshrl.u32 v25, $0x1;
	v44 =	vshrl.u32 v11, $0x1;
	v32 =	vmul.f32 $5.000000000e-01, v11  }
0xe5: {  	v61 =	vshrl.u32 v57, $0x1;
	v33 =	vmul.f32 $5.000000000e-01, v57;
	v23 =	vmul.f32 v23, v23  }
0xe6: {  	v27 =	vmul.f32 v27, v27;
	v1 =	vsub.s32 $0x5F3759DF, v1;
	v3 =	vshrl.u32 v20, $0x1  }
0xe7: {  	v28 =	vmul.f32 $5.000000000e-01, v20;
	v62 =	vshrl.u32 v24, $0x1;
	v35 =	vmul.f32 $5.000000000e-01, v24  }
0xe8: {  	v6 =	vsub.s32 $0x5F3759DF, v6;
	v10 =	vsub.s32 $0x5F3759DF, v10;
	v44 =	vsub.s32 $0x5F3759DF, v44  }
0xe9: {  	v47 =	vsub.s32 $0x5F3759DF, v61;
	v2 =	vmul.f32 v31, v31;
	v31 =	vmul.f32 $5.000000000e-01, v14  }
0xea: {  	v43 =	vmul.f32 v1, v40;
	v3 =	vsub.s32 $0x5F3759DF, v3;
	v48 =	vsub.s32 $0x5F3759DF, v62  }
0xeb: {  	v13 =	vmul.f32 v47, v33;
	v55 =	vadd.f32 v27, v23;
	v23 =	vmax.f32 v9, $9.999999960e-13  }
0xec: {  	[tilespmem:$0x1FF60] =	vst v54;
	v9 =	vmax.f32 v7, $9.999999960e-13;
	v7 =	vshrl.u32 v54, $0x1;
	v54 =	vmul.f32 v6, v38  }
0xed: {  	v2 =	vadd.f32 v2, v53;
	v0 =	vshrl.u32 v23, $0x1;
	v27 =	vmul.f32 $5.000000000e-01, v23  }
0xee: {  	v56 =	vshrl.u32 v9, $0x1;
	v29 =	vmul.f32 $5.000000000e-01, v9;
	v4 =	vsub.s32 $0x5F3759DF, v7  }
0xef: {  	[tilespmem:$0x1FF80] =	vst v9;
	v9 =	vmax.f32 v8, $9.999999960e-13;
	v7 =	vsub.s32 $0x5F3759DF, v17;
	v8 =	vsub.s32 $0x5F3759DF, v26  }
0xf0: {  	v43 =	vmul.f32 v1, v43;
	v58 =	vmax.f32 v55, $9.999999960e-13;
	v37 =	vmul.f32 $5.000000000e-01, v9  }
0xf1: {  	v0 =	vsub.s32 $0x5F3759DF, v0;
	v60 =	vmul.f32 v4, v41;
	v15 =	vmul.f32 v7, v31  }
0xf2: {  	v12 =	vsub.s32 $0x5F3759DF, v56;
	v51 =	vmul.f32 v8, v30;
	v55 =	vmul.f32 v3, v28  }
0xf3: {  	v59 =	vshrl.u32 v9, $0x1;
	v56 =	vmul.f32 v10, v42;
	v54 =	vmul.f32 v6, v54  }
0xf4: {  	v26 =	vmax.f32 v2, $9.999999960e-13;
	v2 =	vmul.f32 v5, v39;
	v34 =	vmul.f32 $5.000000000e-01, v58  }
0xf5: {  	v63 =	vshrl.u32 v58, $0x1;
	v52 =	vmul.f32 v0, v27;
	v53 =	vmul.f32 v12, v29  }
0xf6: {  	[tilespmem:$0x1FFC0] =	vst v58;
	v45 =	vsub.s32 $0x5F3759DF, v59;
	v58 =	vmul.f32 v44, v32;
	v59 =	vmul.f32 v48, v35  }
0xf7: {  	[tilespmem:$0x1FFB0] =	vst v57;
	v36 =	vmul.f32 $5.000000000e-01, v26;
	v57 =	vmul.f32 v45, v37  }
0xf8: {  	v46 =	vmul.f32 v4, v60;
	v49 =	vmul.f32 v7, v15  }
0xf9: {  	v51 =	vmul.f32 v8, v51;
	v55 =	vmul.f32 v3, v55  }
0xfa: {  	v50 =	vsub.s32 $0x5F3759DF, v63;
	v56 =	vmul.f32 v10, v56;
	v60 =	vmul.f32 v47, v13  }
0xfb: {  	v43 =	vsub.f32 $1.500000000e+00, v43;
	v2 =	vmul.f32 v5, v2;
	v15 =	vmul.f32 v50, v34  }
0xfc: {  	[tilespmem:$0x1FF50] =	vst v14;
	v14 =	vshrl.u32 v26, $0x1;
	v52 =	vmul.f32 v0, v52;
	v53 =	vmul.f32 v12, v53  }
0xfd: {  	[tilespmem:$0x1FF90] =	vst v9;
	v63 =	vsub.s32 $0x5F3759DF, v14;
	v58 =	vmul.f32 v44, v58;
	v9 =	vmul.f32 v48, v59  }
0xfe: {  	v13 =	vmul.f32 v1, v43;
	v1 =	vsub.f32 $1.500000000e+00, v54;
	v61 =	vmul.f32 v63, v36  }
0xff: {  	v57 =	vmul.f32 v45, v57;
	v46 =	vsub.f32 $1.500000000e+00, v46;
	v49 =	vsub.f32 $1.500000000e+00, v49  }
0x100: {  	v51 =	vsub.f32 $1.500000000e+00, v51;
	v2 =	vsub.f32 $1.500000000e+00, v2;
	v62 =	vmul.f32 v50, v15  }
0x101: {  	v52 =	vsub.f32 $1.500000000e+00, v52;
	v54 =	vmul.f32 v6, v1;
	v1 =	vsub.f32 $1.500000000e+00, v58  }
0x102: {  	[tilespmem:$0x1FFA0] =	vst v11;
	v6 =	vsub.f32 $1.500000000e+00, v9;
	v11 =	vmul.f32 v63, v61;
	v46 =	vmul.f32 v4, v46  }
0x103: {  	v61 =	vsub.f32 $1.500000000e+00, v53;
	v14 =	vmul.f32 v7, v49;
	v53 =	vmul.f32 v8, v51  }
0x104: {  	v4 =	vsub.f32 $1.500000000e+00, v56;
	v5 =	vmul.f32 v5, v2;
	v15 =	vmul.f32 v0, v52  }
0x105: {  	v0 =	vsub.f32 $1.500000000e+00, v57;
	v58 =	vmul.f32 v44, v1;
	v57 =	vmul.f32 v48, v6  }
0x106: {  	v2 =	vsub.f32 $1.500000000e+00, v55;
	v8 =	vmul.f32 v54, v38;
	v55 =	vmul.f32 v12, v61  }
0x107: {  	v59 =	vmul.f32 v10, v4;
	v4 =	vmul.f32 v13, v40  }
0x108: {  	v1 =	vmul.f32 v46, v41;
	v6 =	vmul.f32 v14, v31  }
0x109: {  	v61 =	vmul.f32 v3, v2;
	v2 =	vmul.f32 v5, v39  }
0x10a: {  	v3 =	vsub.f32 $1.500000000e+00, v60;
	v60 =	vmul.f32 v45, v0;
	v7 =	vmul.f32 v15, v27  }
0x10b: {  	v12 =	vmul.f32 v58, v32;
	v43 =	vmul.f32 v8, v54  }
0x10c: {  	v0 =	vsub.f32 $1.500000000e+00, v62;
	v10 =	vmul.f32 v59, v42;
	v4 =	vmul.f32 v4, v13  }
0x10d: {  	v1 =	vmul.f32 v1, v46;
	v6 =	vmul.f32 v6, v14  }
0x10e: {  	v56 =	vmul.f32 v47, v3;
	v52 =	vmul.f32 v50, v0  }
0x10f: {  	v0 =	vmul.f32 v53, v30;
	v9 =	vmul.f32 v61, v28  }
0x110: {  	v3 =	vsub.f32 $1.500000000e+00, v11;
	v2 =	vmul.f32 v2, v5;
	v11 =	vmul.f32 v60, v37  }
0x111: {  	v47 =	vmul.f32 v57, v35;
	v7 =	vmul.f32 v7, v15  }
0x112: {  	v10 =	vmul.f32 v10, v59;
	v49 =	vmul.f32 v63, v3  }
0x113: {  	v16 =	vlaneseq.u32;
	v3 =	vmul.f32 v55, v29;
	v48 =	vmul.f32 v56, v33  }
0x114: {  	v45 =	vor.u32 s22, v16;
	v50 =	vmul.f32 v52, v34;
	v51 =	vmul.f32 v0, v53  }
0x115: {  	v0 =	vor.u32 s25, v16;
	v17 =	vsub.f32 $1.500000000e+00, v2;
	v8 =	vmul.f32 v9, v61  }
0x116: {  	v9 =	vsub.f32 $1.500000000e+00, v4;
	v2 =	vmul.f32 v12, v58;
	v12 =	vsub.f32 $1.500000000e+00, v6  }
0x117: {  	s20 =	sadd.s32 $0x4, s20;
	v18 =	vsub.f32 $1.500000000e+00, v7;
	v7 =	vsub.f32 $1.500000000e+00, v43;
	[tilespmem:$0x1FFF0] =	vst v0;
	v0 =	vlaneseq.u32  }
0x118: {  	p1 =	slt.u32 s20, $0x1C;
	v62 =	vmul.f32 v49, v36;
	v16 =	vmul.f32 v3, v55;
	v44 =	vor.u32 s26, v0  }
.Ltmp0:
0x119: {  	v3 =	vmul.f32 v11, v60;
	v11 =	vsub.f32 $1.500000000e+00, v1;
	v1 =	vmul.f32 v48, v56;
	(pc) =	sbr.rel @p1 .LBB2_2-.Ltmp0, $4  }
0x11a: {  	v0 =	vmul.f32 v47, v57;
	v63 =	vmul.f32 v50, v52;
	v6 =	vsub.f32 $1.500000000e+00, v51  }
0x11b: {  	v47 =	vmul.f32 v17, v5;
	v4 =	vsub.f32 $1.500000000e+00, v8;
	v48 =	vmul.f32 v9, v13  }
0x11c: {  	v5 =	vsub.f32 $1.500000000e+00, v10;
	v51 =	vmul.f32 v12, v14;
	v62 =	vmul.f32 v62, v49  }
0x11d: {  	s21 =	sadd.s32 $0x200, s21;
	s22 =	sadd.s32 $0x40, s22;
	v8 =	vsub.f32 $1.500000000e+00, v16;
	v50 =	vmul.f32 v11, v46;
	v46 =	vmul.f32 v18, v15  }
0x11e: {  	v6 =	vmul.f32 v6, v53  }
0x11f: {  	v7 =	vmul.f32 v7, v54;
	v4 =	vmul.f32 v4, v61  }
0x120: {  	v3 =	vsub.f32 $1.500000000e+00, v3;
	v5 =	vmul.f32 v5, v59;
	v9 =	vmul.f32 v47, v39  }
0x121: {  	v2 =	vsub.f32 $1.500000000e+00, v2;
	v10 =	vmul.f32 v48, v40;
	v12 =	vmul.f32 v51, v31  }
0x122: {  	v0 =	vsub.f32 $1.500000000e+00, v0;
	v8 =	vmul.f32 v8, v55;
	v11 =	vmul.f32 v50, v41  }
0x123: {  	v1 =	vsub.f32 $1.500000000e+00, v1;
	v16 =	vmul.f32 v46, v27;
	v3 =	vmul.f32 v3, v60  }
0x124: {  	v13 =	vsub.f32 $1.500000000e+00, v63;
	v2 =	vmul.f32 v2, v58;
	v0 =	vmul.f32 v0, v57  }
0x125: {  	v14 =	vsub.f32 $1.500000000e+00, v62;
	v1 =	vmul.f32 v1, v56;
	v9 =	vmul.f32 v9, v47  }
0x126: {  	v10 =	vmul.f32 v10, v48;
	v12 =	vmul.f32 v12, v51  }
0x127: {  	v13 =	vmul.f32 v13, v52;
	v14 =	vmul.f32 v14, v49  }
0x128: {  	v15 =	vmul.f32 v6, v30;
	v18 =	vmul.f32 v7, v38  }
0x129: {  	v11 =	vmul.f32 v11, v50;
	v17 =	vmul.f32 v8, v29  }
0x12a: {  	v16 =	vmul.f32 v16, v46;
	v15 =	vmul.f32 v15, v6  }
0x12b: {  	v18 =	vmul.f32 v18, v7;
	v54 =	vmul.f32 v3, v37  }
0x12c: {  	v9 =	vsub.f32 $1.500000000e+00, v9;
	v55 =	vmul.f32 v2, v32;
	v56 =	vmul.f32 v0, v35  }
0x12d: {  	v10 =	vsub.f32 $1.500000000e+00, v10;
	v57 =	vmul.f32 v1, v33;
	v58 =	vmul.f32 v13, v34  }
0x12e: {  	v12 =	vsub.f32 $1.500000000e+00, v12;
	v59 =	vmul.f32 v14, v36;
	v17 =	vmul.f32 v17, v8  }
0x12f: {  	v11 =	vsub.f32 $1.500000000e+00, v11;
	v9 =	vmul.f32 v9, v47;
	v10 =	vmul.f32 v10, v48  }
0x130: {  	v16 =	vsub.f32 $1.500000000e+00, v16;
	v12 =	vmul.f32 v12, v51;
	v51 =	vmul.f32 v5, v42  }
0x131: {  	v15 =	vsub.f32 $1.500000000e+00, v15;
	v62 =	vmul.f32 v59, v14;
	v11 =	vmul.f32 v11, v50  }
0x132: {  	v63 =	vld [tilespmem:$0x1FF50];
	v18 =	vsub.f32 $1.500000000e+00, v18;
	v50 =	vmul.f32 v4, v28;
	v16 =	vmul.f32 v16, v46  }
0x133: {  	v61 =	vld [tilespmem:$0x1FF60];
	v6 =	vmul.f32 v15, v6;
	v53 =	vmul.f32 v51, v5  }
0x134: {  	v7 =	vmul.f32 v18, v7;
	v9 =	vmul.f32 v9, v22  }
0x135: {  	v15 =	vmul.f32 v54, v3;
	v10 =	vmul.f32 v10, v21  }
0x136: {  	v52 =	vsub.f32 $1.500000000e+00, v17;
	v21 =	vmul.f32 v57, v1;
	v18 =	vmul.f32 v56, v0  }
0x137: {  	v12 =	vmul.f32 v12, v63;
	v27 =	vmul.f32 v50, v4  }
0x138: {  	v22 =	vsub.f32 $1.500000000e+00, v62;
	v8 =	vmul.f32 v52, v8;
	v11 =	vmul.f32 v11, v61  }
0x139: {  	v29 =	vmul.f32 v16, v23;
	v17 =	vsub.f32 $1.500000000e+00, v53;
	v27 =	vsub.f32 $1.500000000e+00, v27  }
0x13a: {  	v28 =	vld [tilespmem:$0x1FF80];
	v15 =	vsub.f32 $1.500000000e+00, v15;
	v14 =	vmul.f32 v22, v14;
	v7 =	vmul.f32 v7, v19  }
0x13b: {  	v18 =	vsub.f32 $1.500000000e+00, v18;
	v5 =	vmul.f32 v17, v5;
	v4 =	vmul.f32 v27, v4;
	v27 =	vld [tilespmem:$0x1FF70]  }
0x13c: {  	v60 =	vsub.f32 $1.500000000e+00, v21;
	v17 =	vmul.f32 v55, v2;
	v3 =	vmul.f32 v15, v3  }
0x13d: {  	v10 =	vadd.f32 $0.0e+00, v10;
	v15 =	vmul.f32 v58, v13;
	v0 =	vmul.f32 v18, v0  }
0x13e: {  	v32 =	vld [tilespmem:$0x1FFC0];
	v31 =	vadd.f32 $0.0e+00, v29;
	v1 =	vmul.f32 v60, v1;
	v4 =	vmul.f32 v4, v20  }
0x13f: {  	v33 =	vld [tilespmem:$0x1FFA0];
	v8 =	vmul.f32 v8, v28;
	v9 =	vadd.f32 v9, v10;
	v15 =	vsub.f32 $1.500000000e+00, v15  }
0x140: {  	v35 =	vld [tilespmem:$0x1FFB0];
	v5 =	vmul.f32 v5, v25;
	v4 =	vadd.f32 $0.0e+00, v4;
	v6 =	vmul.f32 v6, v27  }
0x141: {  	v37 =	vld [tilespmem:$0x1FFD0];
	v30 =	vmul.f32 v14, v26;
	v17 =	vsub.f32 $1.500000000e+00, v17;
	v8 =	vadd.f32 $0.0e+00, v8  }
0x142: {  	v38 =	vld [tilespmem:$0x1FF90];
	v13 =	vmul.f32 v15, v13;
	v5 =	vadd.f32 v5, v9;
	v4 =	vadd.f32 v6, v4  }
0x143: {  	v0 =	vmul.f32 v0, v24;
	v2 =	vmul.f32 v17, v2;
	v8 =	vadd.f32 v12, v8  }
0x144: {  	v5 =	vadd.f32 v7, v5;
	v6 =	vmul.f32 v13, v32;
	v4 =	vadd.f32 v30, v4  }
0x145: {  	v34 =	vadd.f32 v11, v31;
	v1 =	vmul.f32 v1, v35;
	v2 =	vmul.f32 v2, v33  }
0x146: {  	vm0 =	vlt.f32 v5, v37;
	v36 =	vadd.f32 v6, v8;
	v0 =	vadd.f32 v0, v4  }
0x147: {  	v3 =	vmul.f32 v3, v38;
	v5 =	vsel vm0, v5, v37  }
0x148: {  	v1 =	vadd.f32 v1, v34;
	v2 =	vadd.f32 v2, v36;
	vm1 =	vlt.f32 v0, v5  }
0x149: {  	v0 =	vsel vm1, v0, v5  }
0x14a: {  	v1 =	vadd.f32 v3, v1;
	vm2 =	vlt.f32 v2, v0  }
0x14b: {  	v0 =	vsel vm2, v2, v0  }
0x14c: {  	vm3 =	vlt.f32 v1, v0  }
0x14d: {  	v0 =	vsel vm3, v1, v0  }
0x14e: {  	v39 =	vld [tilespmem:$0x1FFE0];
	(xrf0) =	vmin.scan.msk.f32 $0xffff, v0;
	_ =	sdelay $0x2  }
0x14f: {  	v43 =	vld [tilespmem:$0x1FFF0]  }
0x150: {  	v40 =	vlaneseq.u32  }
0x151: {  	v41 =	vor.u32 s19, v40;
	v1 =	vsel vm0, v45, v39  }
0x152: {  	v1 =	vsel vm1, v41, v1;
	v42, _, _ =	vpop (xrf0)  }
0x153: {  	v1 =	vsel vm2, v44, v1;
	v2 =	vbroadcast v42, $0xF  }
0x154: {  	v1 =	vsel vm3, v43, v1  }
0x155: {  	v44 =	vxor.u32 $0x80000000, v1;
	vm11 =	veq.f32 v0, v2  }
0x156: {  	v0 =	vnsel vm11, $0xC0000000, v44  }
0x157: {  	(xrf0) =	vmin.scan.msk.u32 $0xffff, v0;
	_ =	sdelay $0x5  }
0x158: {  	v0, _, _ =	vpop (xrf0)  }
0x159: {  	(v2sf) =	vpush v0, $0xF;
	_ =	sdelay $0xe  }
0x15a: {  	s0 =	spop (v2sf)  }
0x15b: {  	s0 =	sadd.s32 s0, s5  }
0x15c: {  	s0 =	sadd.s32 $0x80000000, s0  }
0x15d: {  	s0 =	scvt.s32.f32 s0  }
0x15e: {  	vm12 =	vmmov $0x1  }
0x15f: {  	v45 =	vnsel vm12, s0, v2  }
0x160: {  	s28 =	simm.s32 $0x3000;
	[tilespmem:$0x3000] =	vst v45  }
0x161: {  	[spmem:s8] =	stream.linear.scatter [tilespmem:s28], [sflag:$0x1], $0x80, $0x38;
	[tilespmem:$0x5110] =	vst v63  }
0x162: {  	_ =	swait.ge [sflag:s6], $0x80  }
0x163: {  	[sflag:s6] =	ssyncset.done $0x0  }
0x164: {  	[sflag:s6] =	ssyncadd.s32 $0xFFFFFF80  }
0x165: {  	s29 =	simm.s32 $0x2800;
	[bflag:$0x0] =	sbarrier.arrive $0xFFFF  }
0x166: {  	[tilespmem:s29], [sflag:$0x1] =	stream.linear.gather [spmem:s1], $0x800, $0x38;
	[tilespmem:$0x5110] =	vst v63  }
0x167: {  	_ =	swait.ge [sflag:s6], $0x800  }
0x168: {  	[sflag:s6] =	ssyncset.done $0x0  }
0x169: {  	[sflag:s6] =	ssyncadd.s32 $0xFFFFF800  }
0x16a: {  	[bflag:$0x0] =	sbarrier.arrive $0xFFFF  }
0x16b: {  	v46 =	vld [tilespmem:$0x2800];
	_ =	sdelay $0x1  }
0x16c: {  	v47 =	vld [tilespmem:$0x2880];
	_ =	sdelay $0x2  }
0x16d: {  	v48 =	vld [tilespmem:$0x2900];
	(v2sf) =	vpush v46, $0x0  }
0x16e: {  	(v2sf) =	vpush v46, $0x1  }
0x16f: {  	(v2sf) =	vpush v47, $0x0;
	_ =	sdelay $0x1  }
0x170: {  	(v2sf) =	vpush v47, $0x1  }
0x171: {  	(v2sf) =	vpush v48, $0x0  }
0x172: {  	v49 =	vld [tilespmem:$0x2980];
	_ =	sdelay $0x3  }
0x173: {  	(v2sf) =	vpush v48, $0x1  }
0x174: {  	(v2sf) =	vpush v49, $0x0  }
0x175: {  	v50 =	vld [tilespmem:$0x2A00];
	_ =	sdelay $0x2  }
0x176: {  	v51 =	vld [tilespmem:$0x2A80];
	s20 =	spop (v2sf)  }
0x177: {  	(v2sf) =	vpush v49, $0x1;
	s19 =	spop (v2sf)  }
0x178: {  	(v2sf) =	vpush v50, $0x0;
	s0 =	spop (v2sf)  }
0x179: {  	v52 =	vld [tilespmem:$0x2B00];
	p0 =	slt.f32 s0, s20  }
0x17a: {  	(v2sf) =	vpush v50, $0x1;
	s2 =	spop (v2sf)  }
0x17b: {  	(v2sf) =	vpush v51, $0x0;
	s20 =	smov.u32 @p0 s0;
	s0 =	spop (v2sf)  }
0x17c: {  	v53 =	vld [tilespmem:$0x2B80];
	p1 =	slt.f32 s0, s20  }
0x17d: {  	(v2sf) =	vpush v51, $0x1  }
0x17e: {  	(v2sf) =	vpush v52, $0x0;
	s7 =	simm.s32 @!p1 $0x0  }
0x17f: {  	v54 =	vld [tilespmem:$0x2C00];
	s7 =	simm.s32 @p1 $0x1  }
0x180: {  	(v2sf) =	vpush v52, $0x1;
	[smem:$0x7FC] =	sst s7;
	s7 =	spop (v2sf)  }
0x181: {  	(v2sf) =	vpush v53, $0x0;
	s20 =	smov.u32 @p1 s0;
	s0 =	spop (v2sf)  }
0x182: {  	v55 =	vld [tilespmem:$0x2C80];
	p1 =	slt.f32 s0, s20  }
0x183: {  	(v2sf) =	vpush v53, $0x1  }
0x184: {  	(v2sf) =	vpush v54, $0x0;
	s10 =	simm.s32 @!p1 $0x0  }
0x185: {  	v56 =	vld [tilespmem:$0x2D00];
	s10 =	simm.s32 @p1 $0x1  }
0x186: {  	(v2sf) =	vpush v54, $0x1;
	[smem:$0x7FD] =	sst s10;
	s10 =	spop (v2sf)  }
0x187: {  	s20 =	smov.u32 @p1 s0;
	(v2sf) =	vpush v55, $0x0;
	s0 =	spop (v2sf)  }
0x188: {  	v57 =	vld [tilespmem:$0x2D80];
	p3 =	slt.f32 s0, s20  }
0x189: {  	(v2sf) =	vpush v55, $0x1;
	s11 =	spop (v2sf)  }
0x18a: {  	(v2sf) =	vpush v56, $0x0;
	s20 =	smov.u32 @p3 s0;
	s0 =	spop (v2sf)  }
0x18b: {  	v58 =	vld [tilespmem:$0x2E00];
	p4 =	slt.f32 s0, s20  }
0x18c: {  	s12 =	spop (v2sf);
	(v2sf) =	vpush v56, $0x1  }
0x18d: {  	s20 =	smov.u32 @p4 s0;
	s0 =	spop (v2sf);
	(v2sf) =	vpush v57, $0x0  }
0x18e: {  	v59 =	vld [tilespmem:$0x2E80];
	p5 =	slt.f32 s0, s20  }
0x18f: {  	s21 =	spop (v2sf);
	(v2sf) =	vpush v57, $0x1  }
0x190: {  	s20 =	smov.u32 @p5 s0;
	s0 =	spop (v2sf);
	(v2sf) =	vpush v58, $0x0  }
0x191: {  	v60 =	vld [tilespmem:$0x2F00];
	p6 =	slt.f32 s0, s20  }
0x192: {  	s22 =	spop (v2sf);
	(v2sf) =	vpush v58, $0x1  }
0x193: {  	s20 =	smov.u32 @p6 s0;
	s0 =	spop (v2sf);
	(v2sf) =	vpush v59, $0x0  }
0x194: {  	v61 =	vld [tilespmem:$0x2F80];
	s30 =	sld [smem:$0x7FC];
	p1 =	slt.f32 s0, s20  }
0x195: {  	(v2sf) =	vpush v59, $0x1;
	s23 =	spop (v2sf)  }
0x196: {  	s31 =	sld [smem:$0x7FD];
	(v2sf) =	vpush v60, $0x0;
	s20 =	smov.u32 @p1 s0;
	s0 =	spop (v2sf)  }
0x197: {  	s19 =	smov.u32 @p0 s2;
	p2 =	seq.s32 s30, $0x1;
	p0 =	slt.f32 s0, s20  }
0x198: {  	s19 =	smov.u32 @p2 s7;
	(v2sf) =	vpush v60, $0x1;
	s2 =	spop (v2sf)  }
0x199: {  	p2 =	seq.s32 s31, $0x1;
	(v2sf) =	vpush v61, $0x0;
	s20 =	smov.u32 @p0 s0;
	s0 =	spop (v2sf)  }
0x19a: {  	s19 =	smov.u32 @p2 s10;
	p2 =	slt.f32 s0, s20  }
0x19b: {  	s7 =	spop (v2sf);
	(v2sf) =	vpush v61, $0x1  }
0x19c: {  	s20 =	smov.u32 @p2 s0;
	s0 =	spop (v2sf)  }
0x19d: {  	s19 =	smov.u32 @p3 s11;
	p3 =	slt.f32 s0, s20  }
0x19e: {  	s10 =	spop (v2sf)  }
0x19f: {  	s19 =	smov.u32 @p4 s12;
	s20 =	smov.u32 @p3 s0;
	s0 =	spop (v2sf)  }
0x1a0: {  	s19 =	smov.u32 @p5 s21;
	p4 =	slt.f32 s0, s20  }
0x1a1: {  	s19 =	smov.u32 @p6 s22;
	s11 =	spop (v2sf)  }
0x1a2: {  	s19 =	smov.u32 @p1 s23;
	s20 =	smov.u32 @p4 s0;
	s0 =	spop (v2sf)  }
0x1a3: {  	s19 =	smov.u32 @p0 s2;
	p0 =	slt.f32 s0, s20  }
0x1a4: {  	s2 =	spop (v2sf)  }
0x1a5: {  	s20 =	smov.u32 @p0 s0;
	s0 =	spop (v2sf)  }
0x1a6: {  	s19 =	smov.u32 @p2 s7;
	p1 =	slt.f32 s0, s20  }
0x1a7: {  	s19 =	smov.u32 @p3 s10;
	s7 =	spop (v2sf)  }
0x1a8: {  	s19 =	smov.u32 @p4 s11;
	s12 =	spop (v2sf);
	s20 =	smov.u32 @p1 s0  }
0x1a9: {  	s19 =	smov.u32 @p0 s2;
	p0 =	slt.f32 s12, s20  }
0x1aa: {  	s19 =	smov.u32 @p1 s7;
	s0 =	spop (v2sf)  }
0x1ab: {  	s19 =	smov.u32 @p0 s0  }
0x1ac: {  	s0 =	scvt.f32.s32 s19;
	_ =	sdelay $0x1  }
0x1ad: {  	s0 =	sshll.u32 s0, $0x9  }
0x1ae: {  	s0 =	sshra.s32 s0, $0x2  }
0x1af: {  	s20 =	simm.s32 $0x3080;
	s0 =	sadd.s32 s0, s3  }
0x1b0: {  	[tilespmem:s20], [sflag:$0x1] =	stream.linear.gather [spmem:s0], $0x80, $0x38;
	[tilespmem:$0x5110] =	vst v63  }
0x1b1: {  	_ =	swait.ge [sflag:s6], $0x80  }
0x1b2: {  	[sflag:s6] =	ssyncset.done $0x0  }
0x1b3: {  	[sflag:s6] =	ssyncadd.s32 $0xFFFFFF80  }
0x1b4: {  	v62 =	vld [tilespmem:$0x3080];
	_ =	sdelay $0x4  }
0x1b5: {  	(v2sf) =	vpush v62, $0x0  }
0x1b6: {  	(v2sf) =	vpush v62, $0x1  }
0x1b7: {  	(v2sf) =	vpush v62, $0x2;
	_ =	sdelay $0x3  }
0x1b8: {  	(v2sf) =	vpush v62, $0x3  }
0x1b9: {  	(v2sf) =	vpush v62, $0x4;
	_ =	sdelay $0x7  }
0x1ba: {  	s21 =	spop (v2sf)  }
0x1bb: {  	s22 =	spop (v2sf);
	s23 =	smul.f32 s21, s13  }
0x1bc: {  	s0 =	smul.f32 s21, s18;
	s24 =	spop (v2sf)  }
0x1bd: {  	s25 =	smul.f32 s22, s18;
	s9 =	sadd.f32 s24, s9  }
0x1be: {  	s2 =	smul.f32 s22, s13  }
0x1bf: {  	p0 =	sgt.f32 s9, $3.141592740e+00;
	s10 =	sadd.f32 $-6.283185480e+00, s9  }
0x1c0: {  	s7 =	sadd.f32 s23, s16;
	s26 =	spop (v2sf)  }
0x1c1: {  	s0 =	sadd.f32 s0, s15;
	s28 =	spop (v2sf);
	s9 =	smov.u32 @p0 s10  }
0x1c2: {  	p0 =	sle.f32 s9, $-3.141592740e+00;
	s10 =	sadd.f32 $6.283185480e+00, s9  }
0x1c3: {  	s14 =	sadd.s32 $0x1, s14;
	s29 =	smul.f32 s26, s13;
	s16 =	ssub.f32 s7, s25  }
0x1c4: {  	s30 =	smul.f32 s28, s18;
	s9 =	smov.u32 @p0 s10;
	p0 =	sne.s32 s14, $0x12  }
.Ltmp1:
0x1c5: {  	vm13 =	veq.s32 v40, $0x0;
	v63 =	vmov s19;
	s15 =	sadd.f32 s0, s2;
	(pc) =	sbr.rel @p0 .LBB2_1-.Ltmp1, $4  }
0x1c6: {  	vm14 =	veq.s32 v40, $0x1;
	s31 =	smul.f32 s26, s18;
	v0 =	vsel vm13, s16, v63  }
0x1c7: {  	vm15 =	veq.s32 v40, $0x2;
	s7 =	smul.f32 s28, s13;
	s0 =	ssub.f32 s29, s30;
	v0 =	vsel vm14, s15, v0  }
0x1c8: {  	v0 =	vsel vm15, s9, v0  }
0x1c9: {  	s18 =	sadd.f32 s7, s31;
	s13 =	smov.u32 s0;
	[tilespmem:s17+$0x1C00] =	vst v0  }
0x1ca: {  	s0 =	stileid.u32  }
0x1cb: {  	p0 =	sne.s32 s0, $0x0  }
0x1cc: {  	_ =	sfence.sel @p0 $0x180000  }
0x1cd: {  	[bflag:$0x0] =	sbarrier.arrive @p0 $0xFFFF  }
0x1ce: {  	_ =	strace @p0 $0x90000047  }
0x1cf: {  	[bflag:$0x2] =	sbarrier.arrive @p0 $0xFFFF  }
0x1d0: {  	s0 =	simm.s32 @!p0 $0x0;
	s1 =	simm.s32 @!p0 $0x1C00;
	s2 =	rddreg [dreg:$0x4]  }
0x1d1: {  	[hbm4b:s2+s0] =	stream.linear.scatter @!p0 [tilespmem:s1], [sflag:$0x1], $0x900, $0x38;
	[tilespmem:$0x5110] =	vst v63  }
0x1d2: {  	s0 =	simm.s32 @!p0 $0x1  }
0x1d3: {  	_ =	swait.ge @!p0 [sflag:s0], $0x900  }
0x1d4: {  	[sflag:s0] =	ssyncset.done @!p0 $0x0  }
0x1d5: {  	[sflag:s0] =	ssyncadd.s32 @!p0 $0xFFFFF700  }
0x1d6: {  	_ =	sfence.sel @!p0 $0x180000  }
0x1d7: {  	[bflag:$0x0] =	sbarrier.arrive @!p0 $0xFFFF  }
0x1d8: {  	_ =	strace @!p0 $0x90000047  }
0x1d9: {  	[bflag:$0x2] =	sbarrier.arrive @!p0 $0xFFFF  }
0x1da: {  	s0 =	rddreg [dreg:$0x3]  }
0x1db: {  	s0 =	sadd.s32 @!p0 $0x100000, s0  }
0x1dc: {  	[sflag:s0] =	ssyncadd.tile.s32 @!p0 $0x1;
	_ =	shalt  }
.Lfunc_end2:
_tile_overlayer_lowered:
.L_overlay_start_2:
0x1dd: {  	(tag) =	ssettag $0x2  }
0x1de: {  	s0 =	rddreg [dreg:$0x0];
	s2 =	stileid.u32  }
0x1df: {  	s1 =	rddreg [dreg:$0x1];
	p0 =	sne.s32 s2, $0x0  }
0x1e0: {  	s3 =	rddreg [dreg:$0x2];
	[bflag:$0x3] =	sbarrier.arrive $0xFFFF;
	s2 =	simm.s32 @!p0 $0x1C01  }
0x1e1: {  	[timem:s3], [sflag:s2] =	dma.local @!p0 [hbm:s0], s1  }
0x1e2: {  	s0 =	simm.s32 @!p0 $0x1  }
0x1e3: {  	_ =	swait.ge @!p0 [sflag:s0], s1  }
0x1e4: {  	s1 =	ssub.s32 @!p0 $0x0, s1;
	[sflag:s0] =	ssyncset.done @!p0 $0x0  }
0x1e5: {  	[sflag:s0] =	ssyncadd.s32 @!p0 s1  }
0x1e6: {  	[bflag:$0x3] =	sbarrier.arrive $0xFFFF  }
0x1e7: {  	_ =	shalt  }

</sc_bundles>
